<compile_context>
chip_gen: v7x
topology: tpu7x:2x2x1
jax: 0.10.2.dev20260603
libtpu: 0.0.44.dev20260713+nightly
codegen_flags: <defaults>
</compile_context>

<pallas_src>
import functools

import jax
import jax.numpy as jnp
from jax import lax
from jax.experimental import pallas as pl
from jax.experimental.pallas import tpu as pltpu
from jax.experimental.pallas import tpu_sc as plsc

N_NODES = 10000
N_EDGES = 320000
DIM = 128

ROW_BLK = 1000

CHUNK = 80
N_WORKERS = 32
EDGES_PER_W = N_EDGES // N_WORKERS
CHUNKS_PER_W = EDGES_PER_W // CHUNK
NSLOT = 4
NROUND = (CHUNKS_PER_W - 1) // NSLOT
STRIPE_OFF = 624
STRIPE_SZ = 640


def _msg_body(h_ref, w1_ref, b1_ref, w2_ref, b2_ref, o_ref):
    x = h_ref[...]
    m = jnp.dot(x, w1_ref[...], preferred_element_type=jnp.float32)
    m = jnp.maximum(m + b1_ref[...], 0.0)
    m = jnp.dot(m, w2_ref[...], preferred_element_type=jnp.float32)
    o_ref[...] = jnp.maximum(m + b2_ref[...], 0.0)


def _msg_mlp(h, W1, b1, W2, b2):
    full = lambda i: (0, 0)
    return pl.pallas_call(
        _msg_body,
        grid=(N_NODES // ROW_BLK,),
        in_specs=[
            pl.BlockSpec((ROW_BLK, DIM), lambda i: (i, 0)),
            pl.BlockSpec((DIM, DIM), full),
            pl.BlockSpec((1, DIM), full),
            pl.BlockSpec((DIM, DIM), full),
            pl.BlockSpec((1, DIM), full),
        ],
        out_specs=pl.BlockSpec((ROW_BLK, DIM), lambda i: (i, 0)),
        out_shape=jax.ShapeDtypeStruct((N_NODES, DIM), jnp.float32),
    )(h, W1, b1.reshape(1, DIM), W2, b2.reshape(1, DIM))


def _sc_body(msg_hbm, ei_hbm, z128_hbm, ones_hbm,
             agg_out, deg_out,
             cb0, cb1, cb2, cb3, rb0, rb1, rb2, rb3,
             b0, b1, b2, b3, acc_sh,
             i0, i1, i2, i3, g0, g1, g2, g3, a0, a1, a2, a3):
    cbs = [cb0, cb1, cb2, cb3]
    rbs = [rb0, rb1, rb2, rb3]
    bufs = [b0, b1, b2, b3]
    isem = [i0, i1, i2, i3]
    gsem = [g0, g1, g2, g3]
    asem = [a0, a1, a2, a3]

    c = lax.axis_index("c")
    s = lax.axis_index("s")
    wid = c * 16 + s
    base = wid * EDGES_PER_W
    r0 = s * STRIPE_OFF
    out0 = c * N_NODES + r0

    def start_idx(j, b, with_col):
        off = base + j * CHUNK
        if with_col:
            pltpu.async_copy(ei_hbm.at[pl.ds(N_EDGES + off, CHUNK)], cbs[b], isem[b])
        pltpu.async_copy(ei_hbm.at[pl.ds(off, CHUNK)], rbs[b], isem[b])

    def wait_idx(j, b, with_col):
        off = base + j * CHUNK
        if with_col:
            pltpu.make_async_copy(ei_hbm.at[pl.ds(N_EDGES + off, CHUNK)], cbs[b], isem[b]).wait()
        pltpu.make_async_copy(ei_hbm.at[pl.ds(off, CHUNK)], rbs[b], isem[b]).wait()

    def start_gather(b):
        pltpu.async_copy(msg_hbm.at[cbs[b]], bufs[b], gsem[b])

    def wait_gather(b):
        pltpu.make_async_copy(msg_hbm.at[cbs[b]], bufs[b], gsem[b]).wait()

    def start_scat(b, src):
        pltpu.async_copy(src, acc_sh.at[rbs[b]], asem[b], add=True)

    def wait_scat(b, src):
        pltpu.make_async_copy(src, acc_sh.at[rbs[b]], asem[b]).wait()

    pltpu.sync_copy(z128_hbm.at[pl.ds(r0, STRIPE_SZ)], acc_sh.at[pl.ds(r0, STRIPE_SZ)])
    plsc.subcore_barrier()

    start_idx(0, 0, True)
    start_idx(1, 1, True)
    wait_idx(0, 0, True)
    start_gather(0)

    def body_a(t, carry):
        for b in range(NSLOT):
            j = t * NSLOT + b
            bi = (b + 2) % NSLOT
            bg = (b + 1) % NSLOT
            if b < 2:
                @pl.when(t > 0)
                def _wa():
                    wait_scat(bi, bufs[bi])
            else:
                wait_scat(bi, bufs[bi])
            if b == 3:
                @pl.when(t < NROUND - 1)
                def _si():
                    start_idx(j + 2, bi, True)
            else:
                start_idx(j + 2, bi, True)
            wait_idx(j + 1, bg, True)
            start_gather(bg)
            wait_gather(b)
            start_scat(b, bufs[b])
        return carry

    lax.fori_loop(0, NROUND, body_a, 0)
    wait_gather(0)
    start_scat(0, bufs[0])
    wait_scat(2, bufs[2])
    wait_scat(3, bufs[3])
    wait_scat(0, bufs[0])
    plsc.subcore_barrier()
    pltpu.sync_copy(acc_sh.at[pl.ds(r0, STRIPE_SZ)], agg_out.at[pl.ds(out0, STRIPE_SZ)])
    plsc.subcore_barrier()

    pltpu.sync_copy(z128_hbm.at[pl.ds(r0, STRIPE_SZ)], acc_sh.at[pl.ds(r0, STRIPE_SZ)])
    pltpu.sync_copy(ones_hbm, bufs[0])
    plsc.subcore_barrier()

    start_idx(0, 0, False)
    start_idx(1, 1, False)

    def body_b(t, carry):
        for b in range(NSLOT):
            j = t * NSLOT + b
            bi = (b + 2) % NSLOT
            if b < 2:
                @pl.when(t > 0)
                def _wb():
                    wait_scat(bi, bufs[0])
            else:
                wait_scat(bi, bufs[0])
            if b == 3:
                @pl.when(t < NROUND - 1)
                def _sj():
                    start_idx(j + 2, bi, False)
            else:
                start_idx(j + 2, bi, False)
            wait_idx(j, b, False)
            start_scat(b, bufs[0])
        return carry

    lax.fori_loop(0, NROUND, body_b, 0)
    wait_idx(CHUNKS_PER_W - 1, 0, False)
    start_scat(0, bufs[0])
    wait_scat(2, bufs[0])
    wait_scat(3, bufs[0])
    wait_scat(0, bufs[0])
    plsc.subcore_barrier()
    pltpu.sync_copy(acc_sh.at[pl.ds(r0, STRIPE_SZ)], deg_out.at[pl.ds(out0, STRIPE_SZ)])


def _sc_aggregate(msg, ei_flat):
    mesh = plsc.VectorSubcoreMesh(core_axis_name="c", subcore_axis_name="s")
    z128 = jnp.zeros((N_NODES, DIM), jnp.float32)
    ones = jnp.ones((CHUNK, DIM), jnp.float32)
    k = functools.partial(
        pl.kernel,
        mesh=mesh,
        out_type=[
            jax.ShapeDtypeStruct((2 * N_NODES, DIM), jnp.float32),
            jax.ShapeDtypeStruct((2 * N_NODES, DIM), jnp.float32),
        ],
        scratch_types=(
            [pltpu.VMEM((CHUNK,), jnp.int32) for _ in range(2 * NSLOT)]
            + [pltpu.VMEM((CHUNK, DIM), jnp.float32) for _ in range(NSLOT)]
            + [pltpu.VMEM_SHARED((N_NODES, DIM), jnp.float32)]
            + [pltpu.SemaphoreType.DMA for _ in range(3 * NSLOT)]
        ),
    )(_sc_body)
    return k(msg, ei_flat, z128, ones)


def _upd_body(h_ref, a0_ref, a1_ref, d0_ref, d1_ref,
              w3h_ref, w3a_ref, b3_ref, w4_ref, b4_ref, o_ref):
    agg = a0_ref[...] + a1_ref[...]
    deg = d0_ref[:, 0:1] + d1_ref[:, 0:1]
    deg = jnp.maximum(deg, 1.0)
    agg = agg / deg
    z = jnp.dot(h_ref[...], w3h_ref[...], preferred_element_type=jnp.float32)
    z = z + jnp.dot(agg, w3a_ref[...], preferred_element_type=jnp.float32)
    z = jnp.maximum(z + b3_ref[...], 0.0)
    out = jnp.dot(z, w4_ref[...], preferred_element_type=jnp.float32)
    o_ref[...] = out + b4_ref[...]


def _update_mlp(h, agg2, deg2, W3, b3, W4, b4):
    full = lambda i: (0, 0)
    blk = lambda i: (i, 0)
    hi = lambda i: (i + N_NODES // ROW_BLK, 0)
    return pl.pallas_call(
        _upd_body,
        grid=(N_NODES // ROW_BLK,),
        in_specs=[
            pl.BlockSpec((ROW_BLK, DIM), blk),
            pl.BlockSpec((ROW_BLK, DIM), blk),
            pl.BlockSpec((ROW_BLK, DIM), hi),
            pl.BlockSpec((ROW_BLK, DIM), blk),
            pl.BlockSpec((ROW_BLK, DIM), hi),
            pl.BlockSpec((DIM, DIM), full),
            pl.BlockSpec((DIM, DIM), full),
            pl.BlockSpec((1, DIM), full),
            pl.BlockSpec((DIM, DIM), full),
            pl.BlockSpec((1, DIM), full),
        ],
        out_specs=pl.BlockSpec((ROW_BLK, DIM), blk),
        out_shape=jax.ShapeDtypeStruct((N_NODES, DIM), jnp.float32),
    )(h, agg2, agg2, deg2, deg2, W3[:DIM], W3[DIM:],
      b3.reshape(1, DIM), W4, b4.reshape(1, DIM))


def kernel(h, edge_index, W1, b1, W2, b2, W3, b3, W4, b4):
    ei_flat = edge_index.astype(jnp.int32).reshape(2 * N_EDGES)
    msg = _msg_mlp(h, W1, b1, W2, b2)
    agg2, deg2 = _sc_aggregate(msg, ei_flat)
    return _update_mlp(h, agg2, deg2, W3, b3, W4, b4)

# --- scband reference (transcript-rebuilt; emitter-appended) ---
"""Pipeline reference for scband-neighbor-aggregator-36455682408725 (READ-ONLY COPY).

The authoritative reference and input builder live on the scoring server;
editing this copy changes nothing except your own understanding.
"""

import jax, jax.numpy as jnp
import numpy as np

N_NODES = 10000
N_EDGES = 320000
DIM = 128


def setup_inputs(seed: int = 0) -> dict:
    key = jax.random.key(seed)
    ks = jax.random.split(key, 12)
    h = jax.random.normal(ks[0], (N_NODES, DIM), dtype=jnp.float32)
    edge_index = jax.random.randint(ks[1], (2, N_EDGES), 0, N_NODES, dtype=jnp.int64)
    s1 = 1.0 / np.sqrt(DIM)
    s2 = 1.0 / np.sqrt(2 * DIM)
    # msg_mlp: Linear(dim,dim) -> ReLU -> Linear(dim,dim) -> ReLU
    W1 = jax.random.uniform(ks[2], (DIM, DIM), minval=-s1, maxval=s1, dtype=jnp.float32)
    b1 = jax.random.uniform(ks[3], (DIM,), minval=-s1, maxval=s1, dtype=jnp.float32)
    W2 = jax.random.uniform(ks[4], (DIM, DIM), minval=-s1, maxval=s1, dtype=jnp.float32)
    b2 = jax.random.uniform(ks[5], (DIM,), minval=-s1, maxval=s1, dtype=jnp.float32)
    # update_mlp: Linear(2*dim,dim) -> ReLU -> Linear(dim,dim)
    W3 = jax.random.uniform(ks[6], (2 * DIM, DIM), minval=-s2, maxval=s2, dtype=jnp.float32)
    b3 = jax.random.uniform(ks[7], (DIM,), minval=-s2, maxval=s2, dtype=jnp.float32)
    W4 = jax.random.uniform(ks[8], (DIM, DIM), minval=-s1, maxval=s1, dtype=jnp.float32)
    b4 = jax.random.uniform(ks[9], (DIM,), minval=-s1, maxval=s1, dtype=jnp.float32)
    return {"h": h, "edge_index": edge_index, "W1": W1, "b1": b1, "W2": W2, "b2": b2, "W3": W3, "b3": b3, "W4": W4, "b4": b4}


def reference(h, edge_index, W1, b1, W2, b2, W3, b3, W4, b4):
    row = edge_index[0]
    col = edge_index[1]
    # message MLP on gathered source node features
    hc = jnp.take(h, col, axis=0)
    m = jax.nn.relu(hc @ W1 + b1)
    m = jax.nn.relu(m @ W2 + b2)
    # scatter-add aggregation to destination nodes
    agg = jnp.zeros((h.shape[0], m.shape[1]), dtype=m.dtype).at[row].add(m)
    deg = jnp.bincount(row, minlength=h.shape[0], length=h.shape[0])
    deg = jnp.clip(deg, 1, None).astype(jnp.float32)[:, None]
    agg = agg / deg
    # update MLP
    z = jnp.concatenate([h, agg], axis=1)
    out = jax.nn.relu(z @ W3 + b3)
    out = out @ W4 + b4
    return out

if __name__ == "__main__":
    import jax
    _d = setup_inputs()
    print(jax.jit(kernel)(*tuple(_d.values())))

</pallas_src>

<mosaic_0001>
#map = affine_map<(d0, d1) -> (0, 0)>
#map1 = affine_map<(d0, d1) -> (0)>
module attributes {stable_mosaic.version = 14 : i64} {
  func.func @_sc_body(%arg0: i32, %arg1: i32, %arg2: memref<10000x128xf32, #tpu.memory_space<hbm>>, %arg3: memref<640000xi32, #tpu.memory_space<hbm>>, %arg4: memref<10000x128xf32, #tpu.memory_space<hbm>>, %arg5: memref<80x128xf32, #tpu.memory_space<hbm>>, %arg6: memref<20000x128xf32, #tpu.memory_space<hbm>>, %arg7: memref<20000x128xf32, #tpu.memory_space<hbm>>, %arg8: memref<80xi32, #tpu.memory_space<vmem>>, %arg9: memref<80xi32, #tpu.memory_space<vmem>>, %arg10: memref<80xi32, #tpu.memory_space<vmem>>, %arg11: memref<80xi32, #tpu.memory_space<vmem>>, %arg12: memref<80xi32, #tpu.memory_space<vmem>>, %arg13: memref<80xi32, #tpu.memory_space<vmem>>, %arg14: memref<80xi32, #tpu.memory_space<vmem>>, %arg15: memref<80xi32, #tpu.memory_space<vmem>>, %arg16: memref<80x128xf32, #tpu.memory_space<vmem>>, %arg17: memref<80x128xf32, #tpu.memory_space<vmem>>, %arg18: memref<80x128xf32, #tpu.memory_space<vmem>>, %arg19: memref<80x128xf32, #tpu.memory_space<vmem>>, %arg20: memref<10000x128xf32, #tpu.memory_space<vmem_shared>>, %arg21: memref<!tpu.dma_semaphore, #tpu.memory_space<semaphore_mem>>, %arg22: memref<!tpu.dma_semaphore, #tpu.memory_space<semaphore_mem>>, %arg23: memref<!tpu.dma_semaphore, #tpu.memory_space<semaphore_mem>>, %arg24: memref<!tpu.dma_semaphore, #tpu.memory_space<semaphore_mem>>, %arg25: memref<!tpu.dma_semaphore, #tpu.memory_space<semaphore_mem>>, %arg26: memref<!tpu.dma_semaphore, #tpu.memory_space<semaphore_mem>>, %arg27: memref<!tpu.dma_semaphore, #tpu.memory_space<semaphore_mem>>, %arg28: memref<!tpu.dma_semaphore, #tpu.memory_space<semaphore_mem>>, %arg29: memref<!tpu.dma_semaphore, #tpu.memory_space<semaphore_mem>>, %arg30: memref<!tpu.dma_semaphore, #tpu.memory_space<semaphore_mem>>, %arg31: memref<!tpu.dma_semaphore, #tpu.memory_space<semaphore_mem>>, %arg32: memref<!tpu.dma_semaphore, #tpu.memory_space<semaphore_mem>>) attributes {dimension_semantics = [#tpu.dimension_semantics<core_parallel>, #tpu.dimension_semantics<subcore_parallel>], iteration_bounds = array<i64: 2, 16>, scalar_prefetch = 0 : i64, scratch_operands = 25 : i64, tpu.core_type = #tpu.core_type<sc_vector_subcore>, window_params = [{transform_indices = #map}, {transform_indices = #map1}, {transform_indices = #map}, {transform_indices = #map}, {transform_indices = #map}, {transform_indices = #map}]} {
    %mul3A = arith.constant 16 : i32
    %mul3A_0 = arith.muli %arg0, %mul3A : i32
    %add3A = arith.addi %mul3A_0, %arg1 : i32
    %mul3A_1 = arith.constant 10000 : i32
    %mul3A_2 = arith.muli %add3A, %mul3A_1 : i32
    %mul3A_3 = arith.constant 624 : i32
    %mul3A_4 = arith.muli %arg1, %mul3A_3 : i32
    %mul3A_5 = arith.constant 10000 : i32
    %mul3A_6 = arith.muli %arg0, %mul3A_5 : i32
    %add3A_7 = arith.addi %mul3A_6, %mul3A_4 : i32
    "tpu.region"() ({
      %run_scoped3A = tpu.sem_alloc : memref<!tpu.dma_semaphore, #tpu.memory_space<semaphore_mem>>
      %dma_start3A_87 = arith.constant 0 : i32
      %dma_start3A_88 = tpu.memref_slice %arg20[%mul3A_4, %dma_start3A_87] : memref<10000x128xf32, #tpu.memory_space<vmem_shared>> -> memref<640x128xf32, #tpu.memory_space<vmem_shared>>
      %dma_start3A_89 = arith.constant 0 : i32
      %dma_start3A_90 = tpu.memref_slice %arg4[%mul3A_4, %dma_start3A_89] : memref<10000x128xf32, #tpu.memory_space<hbm>> -> memref<640x128xf32, #tpu.memory_space<hbm>>
      tpu.enqueue_dma source(%dma_start3A_90 : memref<640x128xf32, #tpu.memory_space<hbm>>) target(%dma_start3A_88 : memref<640x128xf32, #tpu.memory_space<vmem_shared>>) target_semaphore(%run_scoped3A : memref<!tpu.dma_semaphore, #tpu.memory_space<semaphore_mem>>)
      %dma_wait3A_91 = arith.constant 0 : i32
      %dma_wait3A_92 = tpu.memref_slice %arg20[%mul3A_4, %dma_wait3A_91] : memref<10000x128xf32, #tpu.memory_space<vmem_shared>> -> memref<640x128xf32, #tpu.memory_space<vmem_shared>>
      %dma_wait3A_93 = arith.constant 0 : i32
      %dma_wait3A_94 = tpu.memref_slice %arg4[%mul3A_4, %dma_wait3A_93] : memref<10000x128xf32, #tpu.memory_space<hbm>> -> memref<640x128xf32, #tpu.memory_space<hbm>>
      tpu.wait_dma2 semaphore(%run_scoped3A : memref<!tpu.dma_semaphore, #tpu.memory_space<semaphore_mem>>) src(%dma_wait3A_94 : memref<640x128xf32, #tpu.memory_space<hbm>>) dst(%dma_wait3A_92 : memref<640x128xf32, #tpu.memory_space<vmem_shared>>)
      tpu.yield
    }) : () -> ()
    %barrier3A = arith.constant 0 : index
    tpu.barrier barrier_id(%barrier3A)
    %add3A_8 = arith.constant 0 : i32
    %add3A_9 = arith.addi %mul3A_2, %add3A_8 : i32
    %add3A_10 = arith.constant 320000 : i32
    %add3A_11 = arith.addi %add3A_10, %add3A_9 : i32
    %dma_start3A = tpu.memref_slice %arg3[%add3A_11] : memref<640000xi32, #tpu.memory_space<hbm>> -> memref<80xi32, #tpu.memory_space<hbm>>
    %dma_start3A_12 = tpu.memref_slice %arg3[%add3A_11] : memref<640000xi32, #tpu.memory_space<hbm>> -> memref<80xi32, #tpu.memory_space<hbm>>
    tpu.enqueue_dma source(%dma_start3A_12 : memref<80xi32, #tpu.memory_space<hbm>>) target(%arg8 : memref<80xi32, #tpu.memory_space<vmem>>) target_semaphore(%arg21 : memref<!tpu.dma_semaphore, #tpu.memory_space<semaphore_mem>>)
    %dma_start3A_13 = tpu.memref_slice %arg3[%add3A_9] : memref<640000xi32, #tpu.memory_space<hbm>> -> memref<80xi32, #tpu.memory_space<hbm>>
    %dma_start3A_14 = tpu.memref_slice %arg3[%add3A_9] : memref<640000xi32, #tpu.memory_space<hbm>> -> memref<80xi32, #tpu.memory_space<hbm>>
    tpu.enqueue_dma source(%dma_start3A_14 : memref<80xi32, #tpu.memory_space<hbm>>) target(%arg12 : memref<80xi32, #tpu.memory_space<vmem>>) target_semaphore(%arg21 : memref<!tpu.dma_semaphore, #tpu.memory_space<semaphore_mem>>)
    %add3A_15 = arith.constant 80 : i32
    %add3A_16 = arith.addi %mul3A_2, %add3A_15 : i32
    %add3A_17 = arith.constant 320000 : i32
    %add3A_18 = arith.addi %add3A_17, %add3A_16 : i32
    %dma_start3A_19 = tpu.memref_slice %arg3[%add3A_18] : memref<640000xi32, #tpu.memory_space<hbm>> -> memref<80xi32, #tpu.memory_space<hbm>>
    %dma_start3A_20 = tpu.memref_slice %arg3[%add3A_18] : memref<640000xi32, #tpu.memory_space<hbm>> -> memref<80xi32, #tpu.memory_space<hbm>>
    tpu.enqueue_dma source(%dma_start3A_20 : memref<80xi32, #tpu.memory_space<hbm>>) target(%arg9 : memref<80xi32, #tpu.memory_space<vmem>>) target_semaphore(%arg22 : memref<!tpu.dma_semaphore, #tpu.memory_space<semaphore_mem>>)
    %dma_start3A_21 = tpu.memref_slice %arg3[%add3A_16] : memref<640000xi32, #tpu.memory_space<hbm>> -> memref<80xi32, #tpu.memory_space<hbm>>
    %dma_start3A_22 = tpu.memref_slice %arg3[%add3A_16] : memref<640000xi32, #tpu.memory_space<hbm>> -> memref<80xi32, #tpu.memory_space<hbm>>
    tpu.enqueue_dma source(%dma_start3A_22 : memref<80xi32, #tpu.memory_space<hbm>>) target(%arg13 : memref<80xi32, #tpu.memory_space<vmem>>) target_semaphore(%arg22 : memref<!tpu.dma_semaphore, #tpu.memory_space<semaphore_mem>>)
    %add3A_23 = arith.constant 0 : i32
    %add3A_24 = arith.addi %mul3A_2, %add3A_23 : i32
    %add3A_25 = arith.constant 320000 : i32
    %add3A_26 = arith.addi %add3A_25, %add3A_24 : i32
    %dma_wait3A = tpu.memref_slice %arg3[%add3A_26] : memref<640000xi32, #tpu.memory_space<hbm>> -> memref<80xi32, #tpu.memory_space<hbm>>
    %dma_wait3A_27 = tpu.memref_slice %arg3[%add3A_26] : memref<640000xi32, #tpu.memory_space<hbm>> -> memref<80xi32, #tpu.memory_space<hbm>>
    tpu.wait_dma2 semaphore(%arg21 : memref<!tpu.dma_semaphore, #tpu.memory_space<semaphore_mem>>) src(%dma_wait3A_27 : memref<80xi32, #tpu.memory_space<hbm>>) dst(%arg8 : memref<80xi32, #tpu.memory_space<vmem>>)
    %dma_wait3A_28 = tpu.memref_slice %arg3[%add3A_24] : memref<640000xi32, #tpu.memory_space<hbm>> -> memref<80xi32, #tpu.memory_space<hbm>>
    %dma_wait3A_29 = tpu.memref_slice %arg3[%add3A_24] : memref<640000xi32, #tpu.memory_space<hbm>> -> memref<80xi32, #tpu.memory_space<hbm>>
    tpu.wait_dma2 semaphore(%arg21 : memref<!tpu.dma_semaphore, #tpu.memory_space<semaphore_mem>>) src(%dma_wait3A_29 : memref<80xi32, #tpu.memory_space<hbm>>) dst(%arg12 : memref<80xi32, #tpu.memory_space<vmem>>)
    %dma_start3A_30 = arith.constant 0 : i32
    %dma_start3A_31 = arith.constant 0 : i32
    %dma_start3A_32 = tpu.memref_slice %arg2[%dma_start3A_30, %dma_start3A_31] : memref<10000x128xf32, #tpu.memory_space<hbm>> -> memref<10000x128xf32, #tpu.memory_space<hbm>>
    tpu.enqueue_indirect_dma source(%dma_start3A_32 : memref<10000x128xf32, #tpu.memory_space<hbm>>) target(%arg16 : memref<80x128xf32, #tpu.memory_space<vmem>>) offsets(%arg8 : memref<80xi32, #tpu.memory_space<vmem>>) semaphore(%arg25 : memref<!tpu.dma_semaphore, #tpu.memory_space<semaphore_mem>>)
    %scan3A = arith.constant 0 : i32
    %scan3A_33 = arith.constant 0 : i32
    %scan3A_34 = arith.constant 31 : i32
    %scan3A_35 = arith.addi %scan3A_33, %scan3A_34 : i32
    %scan3A_36 = arith.constant 1 : i32
    scf.for %scan3A_87 = %scan3A_33 to %scan3A_35 step %scan3A_36  : i32 {
      %mul3A_88 = arith.constant 4 : i32
      %mul3A_89 = arith.muli %scan3A_87, %mul3A_88 : i32
      %add3A_90 = arith.constant 0 : i32
      %add3A_91 = arith.addi %mul3A_89, %add3A_90 : i32
      %gt3A = arith.constant 0 : i32
      %gt3A_92 = arith.cmpi sgt, %scan3A_87, %gt3A : i32
      %convert_element_type3A = arith.extui %gt3A_92 : i1 to i32
      %cond3A = arith.constant 0 : i32
      %cond3A_93 = arith.cmpi ne, %convert_element_type3A, %cond3A : i32
      scf.if %cond3A_93 {
        %dma_wait3A_234 = arith.constant 0 : i32
        %dma_wait3A_235 = arith.constant 0 : i32
        %dma_wait3A_236 = tpu.memref_slice %arg20[%dma_wait3A_234, %dma_wait3A_235] : memref<10000x128xf32, #tpu.memory_space<vmem_shared>> -> memref<10000x128xf32, #tpu.memory_space<vmem_shared>>
        tpu.wait_indirect_dma semaphore(%arg31 : memref<!tpu.dma_semaphore, #tpu.memory_space<semaphore_mem>>) src(%arg18 : memref<80x128xf32, #tpu.memory_space<vmem>>) dst(%dma_wait3A_236 : memref<10000x128xf32, #tpu.memory_space<vmem_shared>>)
      } else {
      }
      %add3A_94 = arith.constant 2 : i32
      %add3A_95 = arith.addi %add3A_91, %add3A_94 : i32
      %mul3A_96 = arith.constant 80 : i32
      %mul3A_97 = arith.muli %add3A_95, %mul3A_96 : i32
      %add3A_98 = arith.addi %mul3A_2, %mul3A_97 : i32
      %add3A_99 = arith.constant 320000 : i32
      %add3A_100 = arith.addi %add3A_99, %add3A_98 : i32
      %dma_start3A_101 = tpu.memref_slice %arg3[%add3A_100] : memref<640000xi32, #tpu.memory_space<hbm>> -> memref<80xi32, #tpu.memory_space<hbm>>
      %dma_start3A_102 = tpu.memref_slice %arg3[%add3A_100] : memref<640000xi32, #tpu.memory_space<hbm>> -> memref<80xi32, #tpu.memory_space<hbm>>
      tpu.enqueue_dma source(%dma_start3A_102 : memref<80xi32, #tpu.memory_space<hbm>>) target(%arg10 : memref<80xi32, #tpu.memory_space<vmem>>) target_semaphore(%arg23 : memref<!tpu.dma_semaphore, #tpu.memory_space<semaphore_mem>>)
      %dma_start3A_103 = tpu.memref_slice %arg3[%add3A_98] : memref<640000xi32, #tpu.memory_space<hbm>> -> memref<80xi32, #tpu.memory_space<hbm>>
      %dma_start3A_104 = tpu.memref_slice %arg3[%add3A_98] : memref<640000xi32, #tpu.memory_space<hbm>> -> memref<80xi32, #tpu.memory_space<hbm>>
      tpu.enqueue_dma source(%dma_start3A_104 : memref<80xi32, #tpu.memory_space<hbm>>) target(%arg14 : memref<80xi32, #tpu.memory_space<vmem>>) target_semaphore(%arg23 : memref<!tpu.dma_semaphore, #tpu.memory_space<semaphore_mem>>)
      %add3A_105 = arith.constant 1 : i32
      %add3A_106 = arith.addi %add3A_91, %add3A_105 : i32
      %mul3A_107 = arith.constant 80 : i32
      %mul3A_108 = arith.muli %add3A_106, %mul3A_107 : i32
      %add3A_109 = arith.addi %mul3A_2, %mul3A_108 : i32
      %add3A_110 = arith.constant 320000 : i32
      %add3A_111 = arith.addi %add3A_110, %add3A_109 : i32
      %dma_wait3A_112 = tpu.memref_slice %arg3[%add3A_111] : memref<640000xi32, #tpu.memory_space<hbm>> -> memref<80xi32, #tpu.memory_space<hbm>>
      %dma_wait3A_113 = tpu.memref_slice %arg3[%add3A_111] : memref<640000xi32, #tpu.memory_space<hbm>> -> memref<80xi32, #tpu.memory_space<hbm>>
      tpu.wait_dma2 semaphore(%arg22 : memref<!tpu.dma_semaphore, #tpu.memory_space<semaphore_mem>>) src(%dma_wait3A_113 : memref<80xi32, #tpu.memory_space<hbm>>) dst(%arg9 : memref<80xi32, #tpu.memory_space<vmem>>)
      %dma_wait3A_114 = tpu.memref_slice %arg3[%add3A_109] : memref<640000xi32, #tpu.memory_space<hbm>> -> memref<80xi32, #tpu.memory_space<hbm>>
      %dma_wait3A_115 = tpu.memref_slice %arg3[%add3A_109] : memref<640000xi32, #tpu.memory_space<hbm>> -> memref<80xi32, #tpu.memory_space<hbm>>
      tpu.wait_dma2 semaphore(%arg22 : memref<!tpu.dma_semaphore, #tpu.memory_space<semaphore_mem>>) src(%dma_wait3A_115 : memref<80xi32, #tpu.memory_space<hbm>>) dst(%arg13 : memref<80xi32, #tpu.memory_space<vmem>>)
      %dma_start3A_116 = arith.constant 0 : i32
      %dma_start3A_117 = arith.constant 0 : i32
      %dma_start3A_118 = tpu.memref_slice %arg2[%dma_start3A_116, %dma_start3A_117] : memref<10000x128xf32, #tpu.memory_space<hbm>> -> memref<10000x128xf32, #tpu.memory_space<hbm>>
      tpu.enqueue_indirect_dma source(%dma_start3A_118 : memref<10000x128xf32, #tpu.memory_space<hbm>>) target(%arg17 : memref<80x128xf32, #tpu.memory_space<vmem>>) offsets(%arg9 : memref<80xi32, #tpu.memory_space<vmem>>) semaphore(%arg26 : memref<!tpu.dma_semaphore, #tpu.memory_space<semaphore_mem>>)
      %dma_wait3A_119 = arith.constant 0 : i32
      %dma_wait3A_120 = arith.constant 0 : i32
      %dma_wait3A_121 = tpu.memref_slice %arg2[%dma_wait3A_119, %dma_wait3A_120] : memref<10000x128xf32, #tpu.memory_space<hbm>> -> memref<10000x128xf32, #tpu.memory_space<hbm>>
      tpu.wait_indirect_dma semaphore(%arg25 : memref<!tpu.dma_semaphore, #tpu.memory_space<semaphore_mem>>) src(%dma_wait3A_121 : memref<10000x128xf32, #tpu.memory_space<hbm>>) dst(%arg16 : memref<80x128xf32, #tpu.memory_space<vmem>>)
      %dma_start3A_122 = arith.constant 0 : i32
      %dma_start3A_123 = arith.constant 0 : i32
      %dma_start3A_124 = tpu.memref_slice %arg20[%dma_start3A_122, %dma_start3A_123] : memref<10000x128xf32, #tpu.memory_space<vmem_shared>> -> memref<10000x128xf32, #tpu.memory_space<vmem_shared>>
      tpu.enqueue_indirect_dma source(%arg16 : memref<80x128xf32, #tpu.memory_space<vmem>>) target(%dma_start3A_124 : memref<10000x128xf32, #tpu.memory_space<vmem_shared>>) offsets(%arg12 : memref<80xi32, #tpu.memory_space<vmem>>) semaphore(%arg29 : memref<!tpu.dma_semaphore, #tpu.memory_space<semaphore_mem>>) {add = true}
      %mul3A_125 = arith.constant 4 : i32
      %mul3A_126 = arith.muli %scan3A_87, %mul3A_125 : i32
      %add3A_127 = arith.constant 1 : i32
      %add3A_128 = arith.addi %mul3A_126, %add3A_127 : i32
      %gt3A_129 = arith.constant 0 : i32
      %gt3A_130 = arith.cmpi sgt, %scan3A_87, %gt3A_129 : i32
      %convert_element_type3A_131 = arith.extui %gt3A_130 : i1 to i32
      %cond3A_132 = arith.constant 0 : i32
      %cond3A_133 = arith.cmpi ne, %convert_element_type3A_131, %cond3A_132 : i32
      scf.if %cond3A_133 {
        %dma_wait3A_234 = arith.constant 0 : i32
        %dma_wait3A_235 = arith.constant 0 : i32
        %dma_wait3A_236 = tpu.memref_slice %arg20[%dma_wait3A_234, %dma_wait3A_235] : memref<10000x128xf32, #tpu.memory_space<vmem_shared>> -> memref<10000x128xf32, #tpu.memory_space<vmem_shared>>
        tpu.wait_indirect_dma semaphore(%arg32 : memref<!tpu.dma_semaphore, #tpu.memory_space<semaphore_mem>>) src(%arg19 : memref<80x128xf32, #tpu.memory_space<vmem>>) dst(%dma_wait3A_236 : memref<10000x128xf32, #tpu.memory_space<vmem_shared>>)
      } else {
      }
      %add3A_134 = arith.constant 2 : i32
      %add3A_135 = arith.addi %add3A_128, %add3A_134 : i32
      %mul3A_136 = arith.constant 80 : i32
      %mul3A_137 = arith.muli %add3A_135, %mul3A_136 : i32
      %add3A_138 = arith.addi %mul3A_2, %mul3A_137 : i32
      %add3A_139 = arith.constant 320000 : i32
      %add3A_140 = arith.addi %add3A_139, %add3A_138 : i32
      %dma_start3A_141 = tpu.memref_slice %arg3[%add3A_140] : memref<640000xi32, #tpu.memory_space<hbm>> -> memref<80xi32, #tpu.memory_space<hbm>>
      %dma_start3A_142 = tpu.memref_slice %arg3[%add3A_140] : memref<640000xi32, #tpu.memory_space<hbm>> -> memref<80xi32, #tpu.memory_space<hbm>>
      tpu.enqueue_dma source(%dma_start3A_142 : memref<80xi32, #tpu.memory_space<hbm>>) target(%arg11 : memref<80xi32, #tpu.memory_space<vmem>>) target_semaphore(%arg24 : memref<!tpu.dma_semaphore, #tpu.memory_space<semaphore_mem>>)
      %dma_start3A_143 = tpu.memref_slice %arg3[%add3A_138] : memref<640000xi32, #tpu.memory_space<hbm>> -> memref<80xi32, #tpu.memory_space<hbm>>
      %dma_start3A_144 = tpu.memref_slice %arg3[%add3A_138] : memref<640000xi32, #tpu.memory_space<hbm>> -> memref<80xi32, #tpu.memory_space<hbm>>
      tpu.enqueue_dma source(%dma_start3A_144 : memref<80xi32, #tpu.memory_space<hbm>>) target(%arg15 : memref<80xi32, #tpu.memory_space<vmem>>) target_semaphore(%arg24 : memref<!tpu.dma_semaphore, #tpu.memory_space<semaphore_mem>>)
      %add3A_145 = arith.constant 1 : i32
      %add3A_146 = arith.addi %add3A_128, %add3A_145 : i32
      %mul3A_147 = arith.constant 80 : i32
      %mul3A_148 = arith.muli %add3A_146, %mul3A_147 : i32
      %add3A_149 = arith.addi %mul3A_2, %mul3A_148 : i32
      %add3A_150 = arith.constant 320000 : i32
      %add3A_151 = arith.addi %add3A_150, %add3A_149 : i32
      %dma_wait3A_152 = tpu.memref_slice %arg3[%add3A_151] : memref<640000xi32, #tpu.memory_space<hbm>> -> memref<80xi32, #tpu.memory_space<hbm>>
      %dma_wait3A_153 = tpu.memref_slice %arg3[%add3A_151] : memref<640000xi32, #tpu.memory_space<hbm>> -> memref<80xi32, #tpu.memory_space<hbm>>
      tpu.wait_dma2 semaphore(%arg23 : memref<!tpu.dma_semaphore, #tpu.memory_space<semaphore_mem>>) src(%dma_wait3A_153 : memref<80xi32, #tpu.memory_space<hbm>>) dst(%arg10 : memref<80xi32, #tpu.memory_space<vmem>>)
      %dma_wait3A_154 = tpu.memref_slice %arg3[%add3A_149] : memref<640000xi32, #tpu.memory_space<hbm>> -> memref<80xi32, #tpu.memory_space<hbm>>
      %dma_wait3A_155 = tpu.memref_slice %arg3[%add3A_149] : memref<640000xi32, #tpu.memory_space<hbm>> -> memref<80xi32, #tpu.memory_space<hbm>>
      tpu.wait_dma2 semaphore(%arg23 : memref<!tpu.dma_semaphore, #tpu.memory_space<semaphore_mem>>) src(%dma_wait3A_155 : memref<80xi32, #tpu.memory_space<hbm>>) dst(%arg14 : memref<80xi32, #tpu.memory_space<vmem>>)
      %dma_start3A_156 = arith.constant 0 : i32
      %dma_start3A_157 = arith.constant 0 : i32
      %dma_start3A_158 = tpu.memref_slice %arg2[%dma_start3A_156, %dma_start3A_157] : memref<10000x128xf32, #tpu.memory_space<hbm>> -> memref<10000x128xf32, #tpu.memory_space<hbm>>
      tpu.enqueue_indirect_dma source(%dma_start3A_158 : memref<10000x128xf32, #tpu.memory_space<hbm>>) target(%arg18 : memref<80x128xf32, #tpu.memory_space<vmem>>) offsets(%arg10 : memref<80xi32, #tpu.memory_space<vmem>>) semaphore(%arg27 : memref<!tpu.dma_semaphore, #tpu.memory_space<semaphore_mem>>)
      %dma_wait3A_159 = arith.constant 0 : i32
      %dma_wait3A_160 = arith.constant 0 : i32
      %dma_wait3A_161 = tpu.memref_slice %arg2[%dma_wait3A_159, %dma_wait3A_160] : memref<10000x128xf32, #tpu.memory_space<hbm>> -> memref<10000x128xf32, #tpu.memory_space<hbm>>
      tpu.wait_indirect_dma semaphore(%arg26 : memref<!tpu.dma_semaphore, #tpu.memory_space<semaphore_mem>>) src(%dma_wait3A_161 : memref<10000x128xf32, #tpu.memory_space<hbm>>) dst(%arg17 : memref<80x128xf32, #tpu.memory_space<vmem>>)
      %dma_start3A_162 = arith.constant 0 : i32
      %dma_start3A_163 = arith.constant 0 : i32
      %dma_start3A_164 = tpu.memref_slice %arg20[%dma_start3A_162, %dma_start3A_163] : memref<10000x128xf32, #tpu.memory_space<vmem_shared>> -> memref<10000x128xf32, #tpu.memory_space<vmem_shared>>
      tpu.enqueue_indirect_dma source(%arg17 : memref<80x128xf32, #tpu.memory_space<vmem>>) target(%dma_start3A_164 : memref<10000x128xf32, #tpu.memory_space<vmem_shared>>) offsets(%arg13 : memref<80xi32, #tpu.memory_space<vmem>>) semaphore(%arg30 : memref<!tpu.dma_semaphore, #tpu.memory_space<semaphore_mem>>) {add = true}
      %mul3A_165 = arith.constant 4 : i32
      %mul3A_166 = arith.muli %scan3A_87, %mul3A_165 : i32
      %add3A_167 = arith.constant 2 : i32
      %add3A_168 = arith.addi %mul3A_166, %add3A_167 : i32
      %dma_wait3A_169 = arith.constant 0 : i32
      %dma_wait3A_170 = arith.constant 0 : i32
      %dma_wait3A_171 = tpu.memref_slice %arg20[%dma_wait3A_169, %dma_wait3A_170] : memref<10000x128xf32, #tpu.memory_space<vmem_shared>> -> memref<10000x128xf32, #tpu.memory_space<vmem_shared>>
      tpu.wait_indirect_dma semaphore(%arg29 : memref<!tpu.dma_semaphore, #tpu.memory_space<semaphore_mem>>) src(%arg16 : memref<80x128xf32, #tpu.memory_space<vmem>>) dst(%dma_wait3A_171 : memref<10000x128xf32, #tpu.memory_space<vmem_shared>>)
      %add3A_172 = arith.constant 2 : i32
      %add3A_173 = arith.addi %add3A_168, %add3A_172 : i32
      %mul3A_174 = arith.constant 80 : i32
      %mul3A_175 = arith.muli %add3A_173, %mul3A_174 : i32
      %add3A_176 = arith.addi %mul3A_2, %mul3A_175 : i32
      %add3A_177 = arith.constant 320000 : i32
      %add3A_178 = arith.addi %add3A_177, %add3A_176 : i32
      %dma_start3A_179 = tpu.memref_slice %arg3[%add3A_178] : memref<640000xi32, #tpu.memory_space<hbm>> -> memref<80xi32, #tpu.memory_space<hbm>>
      %dma_start3A_180 = tpu.memref_slice %arg3[%add3A_178] : memref<640000xi32, #tpu.memory_space<hbm>> -> memref<80xi32, #tpu.memory_space<hbm>>
      tpu.enqueue_dma source(%dma_start3A_180 : memref<80xi32, #tpu.memory_space<hbm>>) target(%arg8 : memref<80xi32, #tpu.memory_space<vmem>>) target_semaphore(%arg21 : memref<!tpu.dma_semaphore, #tpu.memory_space<semaphore_mem>>)
      %dma_start3A_181 = tpu.memref_slice %arg3[%add3A_176] : memref<640000xi32, #tpu.memory_space<hbm>> -> memref<80xi32, #tpu.memory_space<hbm>>
      %dma_start3A_182 = tpu.memref_slice %arg3[%add3A_176] : memref<640000xi32, #tpu.memory_space<hbm>> -> memref<80xi32, #tpu.memory_space<hbm>>
      tpu.enqueue_dma source(%dma_start3A_182 : memref<80xi32, #tpu.memory_space<hbm>>) target(%arg12 : memref<80xi32, #tpu.memory_space<vmem>>) target_semaphore(%arg21 : memref<!tpu.dma_semaphore, #tpu.memory_space<semaphore_mem>>)
      %add3A_183 = arith.constant 1 : i32
      %add3A_184 = arith.addi %add3A_168, %add3A_183 : i32
      %mul3A_185 = arith.constant 80 : i32
      %mul3A_186 = arith.muli %add3A_184, %mul3A_185 : i32
      %add3A_187 = arith.addi %mul3A_2, %mul3A_186 : i32
      %add3A_188 = arith.constant 320000 : i32
      %add3A_189 = arith.addi %add3A_188, %add3A_187 : i32
      %dma_wait3A_190 = tpu.memref_slice %arg3[%add3A_189] : memref<640000xi32, #tpu.memory_space<hbm>> -> memref<80xi32, #tpu.memory_space<hbm>>
      %dma_wait3A_191 = tpu.memref_slice %arg3[%add3A_189] : memref<640000xi32, #tpu.memory_space<hbm>> -> memref<80xi32, #tpu.memory_space<hbm>>
      tpu.wait_dma2 semaphore(%arg24 : memref<!tpu.dma_semaphore, #tpu.memory_space<semaphore_mem>>) src(%dma_wait3A_191 : memref<80xi32, #tpu.memory_space<hbm>>) dst(%arg11 : memref<80xi32, #tpu.memory_space<vmem>>)
      %dma_wait3A_192 = tpu.memref_slice %arg3[%add3A_187] : memref<640000xi32, #tpu.memory_space<hbm>> -> memref<80xi32, #tpu.memory_space<hbm>>
      %dma_wait3A_193 = tpu.memref_slice %arg3[%add3A_187] : memref<640000xi32, #tpu.memory_space<hbm>> -> memref<80xi32, #tpu.memory_space<hbm>>
      tpu.wait_dma2 semaphore(%arg24 : memref<!tpu.dma_semaphore, #tpu.memory_space<semaphore_mem>>) src(%dma_wait3A_193 : memref<80xi32, #tpu.memory_space<hbm>>) dst(%arg15 : memref<80xi32, #tpu.memory_space<vmem>>)
      %dma_start3A_194 = arith.constant 0 : i32
      %dma_start3A_195 = arith.constant 0 : i32
      %dma_start3A_196 = tpu.memref_slice %arg2[%dma_start3A_194, %dma_start3A_195] : memref<10000x128xf32, #tpu.memory_space<hbm>> -> memref<10000x128xf32, #tpu.memory_space<hbm>>
      tpu.enqueue_indirect_dma source(%dma_start3A_196 : memref<10000x128xf32, #tpu.memory_space<hbm>>) target(%arg19 : memref<80x128xf32, #tpu.memory_space<vmem>>) offsets(%arg11 : memref<80xi32, #tpu.memory_space<vmem>>) semaphore(%arg28 : memref<!tpu.dma_semaphore, #tpu.memory_space<semaphore_mem>>)
      %dma_wait3A_197 = arith.constant 0 : i32
      %dma_wait3A_198 = arith.constant 0 : i32
      %dma_wait3A_199 = tpu.memref_slice %arg2[%dma_wait3A_197, %dma_wait3A_198] : memref<10000x128xf32, #tpu.memory_space<hbm>> -> memref<10000x128xf32, #tpu.memory_space<hbm>>
      tpu.wait_indirect_dma semaphore(%arg27 : memref<!tpu.dma_semaphore, #tpu.memory_space<semaphore_mem>>) src(%dma_wait3A_199 : memref<10000x128xf32, #tpu.memory_space<hbm>>) dst(%arg18 : memref<80x128xf32, #tpu.memory_space<vmem>>)
      %dma_start3A_200 = arith.constant 0 : i32
      %dma_start3A_201 = arith.constant 0 : i32
      %dma_start3A_202 = tpu.memref_slice %arg20[%dma_start3A_200, %dma_start3A_201] : memref<10000x128xf32, #tpu.memory_space<vmem_shared>> -> memref<10000x128xf32, #tpu.memory_space<vmem_shared>>
      tpu.enqueue_indirect_dma source(%arg18 : memref<80x128xf32, #tpu.memory_space<vmem>>) target(%dma_start3A_202 : memref<10000x128xf32, #tpu.memory_space<vmem_shared>>) offsets(%arg14 : memref<80xi32, #tpu.memory_space<vmem>>) semaphore(%arg31 : memref<!tpu.dma_semaphore, #tpu.memory_space<semaphore_mem>>) {add = true}
      %mul3A_203 = arith.constant 4 : i32
      %mul3A_204 = arith.muli %scan3A_87, %mul3A_203 : i32
      %add3A_205 = arith.constant 3 : i32
      %add3A_206 = arith.addi %mul3A_204, %add3A_205 : i32
      %dma_wait3A_207 = arith.constant 0 : i32
      %dma_wait3A_208 = arith.constant 0 : i32
      %dma_wait3A_209 = tpu.memref_slice %arg20[%dma_wait3A_207, %dma_wait3A_208] : memref<10000x128xf32, #tpu.memory_space<vmem_shared>> -> memref<10000x128xf32, #tpu.memory_space<vmem_shared>>
      tpu.wait_indirect_dma semaphore(%arg30 : memref<!tpu.dma_semaphore, #tpu.memory_space<semaphore_mem>>) src(%arg17 : memref<80x128xf32, #tpu.memory_space<vmem>>) dst(%dma_wait3A_209 : memref<10000x128xf32, #tpu.memory_space<vmem_shared>>)
      %lt3A = arith.constant 30 : i32
      %lt3A_210 = arith.cmpi slt, %scan3A_87, %lt3A : i32
      %convert_element_type3A_211 = arith.extui %lt3A_210 : i1 to i32
      %cond3A_212 = arith.constant 0 : i32
      %cond3A_213 = arith.cmpi ne, %convert_element_type3A_211, %cond3A_212 : i32
      scf.if %cond3A_213 {
        %add3A_234 = arith.constant 2 : i32
        %add3A_235 = arith.addi %add3A_206, %add3A_234 : i32
        %mul3A_236 = arith.constant 80 : i32
        %mul3A_237 = arith.muli %add3A_235, %mul3A_236 : i32
        %add3A_238 = arith.addi %mul3A_2, %mul3A_237 : i32
        %add3A_239 = arith.constant 320000 : i32
        %add3A_240 = arith.addi %add3A_239, %add3A_238 : i32
        %dma_start3A_241 = tpu.memref_slice %arg3[%add3A_240] : memref<640000xi32, #tpu.memory_space<hbm>> -> memref<80xi32, #tpu.memory_space<hbm>>
        %dma_start3A_242 = tpu.memref_slice %arg3[%add3A_240] : memref<640000xi32, #tpu.memory_space<hbm>> -> memref<80xi32, #tpu.memory_space<hbm>>
        tpu.enqueue_dma source(%dma_start3A_242 : memref<80xi32, #tpu.memory_space<hbm>>) target(%arg9 : memref<80xi32, #tpu.memory_space<vmem>>) target_semaphore(%arg22 : memref<!tpu.dma_semaphore, #tpu.memory_space<semaphore_mem>>)
        %dma_start3A_243 = tpu.memref_slice %arg3[%add3A_238] : memref<640000xi32, #tpu.memory_space<hbm>> -> memref<80xi32, #tpu.memory_space<hbm>>
        %dma_start3A_244 = tpu.memref_slice %arg3[%add3A_238] : memref<640000xi32, #tpu.memory_space<hbm>> -> memref<80xi32, #tpu.memory_space<hbm>>
        tpu.enqueue_dma source(%dma_start3A_244 : memref<80xi32, #tpu.memory_space<hbm>>) target(%arg13 : memref<80xi32, #tpu.memory_space<vmem>>) target_semaphore(%arg22 : memref<!tpu.dma_semaphore, #tpu.memory_space<semaphore_mem>>)
      } else {
      }
      %add3A_214 = arith.constant 1 : i32
      %add3A_215 = arith.addi %add3A_206, %add3A_214 : i32
      %mul3A_216 = arith.constant 80 : i32
      %mul3A_217 = arith.muli %add3A_215, %mul3A_216 : i32
      %add3A_218 = arith.addi %mul3A_2, %mul3A_217 : i32
      %add3A_219 = arith.constant 320000 : i32
      %add3A_220 = arith.addi %add3A_219, %add3A_218 : i32
      %dma_wait3A_221 = tpu.memref_slice %arg3[%add3A_220] : memref<640000xi32, #tpu.memory_space<hbm>> -> memref<80xi32, #tpu.memory_space<hbm>>
      %dma_wait3A_222 = tpu.memref_slice %arg3[%add3A_220] : memref<640000xi32, #tpu.memory_space<hbm>> -> memref<80xi32, #tpu.memory_space<hbm>>
      tpu.wait_dma2 semaphore(%arg21 : memref<!tpu.dma_semaphore, #tpu.memory_space<semaphore_mem>>) src(%dma_wait3A_222 : memref<80xi32, #tpu.memory_space<hbm>>) dst(%arg8 : memref<80xi32, #tpu.memory_space<vmem>>)
      %dma_wait3A_223 = tpu.memref_slice %arg3[%add3A_218] : memref<640000xi32, #tpu.memory_space<hbm>> -> memref<80xi32, #tpu.memory_space<hbm>>
      %dma_wait3A_224 = tpu.memref_slice %arg3[%add3A_218] : memref<640000xi32, #tpu.memory_space<hbm>> -> memref<80xi32, #tpu.memory_space<hbm>>
      tpu.wait_dma2 semaphore(%arg21 : memref<!tpu.dma_semaphore, #tpu.memory_space<semaphore_mem>>) src(%dma_wait3A_224 : memref<80xi32, #tpu.memory_space<hbm>>) dst(%arg12 : memref<80xi32, #tpu.memory_space<vmem>>)
      %dma_start3A_225 = arith.constant 0 : i32
      %dma_start3A_226 = arith.constant 0 : i32
      %dma_start3A_227 = tpu.memref_slice %arg2[%dma_start3A_225, %dma_start3A_226] : memref<10000x128xf32, #tpu.memory_space<hbm>> -> memref<10000x128xf32, #tpu.memory_space<hbm>>
      tpu.enqueue_indirect_dma source(%dma_start3A_227 : memref<10000x128xf32, #tpu.memory_space<hbm>>) target(%arg16 : memref<80x128xf32, #tpu.memory_space<vmem>>) offsets(%arg8 : memref<80xi32, #tpu.memory_space<vmem>>) semaphore(%arg25 : memref<!tpu.dma_semaphore, #tpu.memory_space<semaphore_mem>>)
      %dma_wait3A_228 = arith.constant 0 : i32
      %dma_wait3A_229 = arith.constant 0 : i32
      %dma_wait3A_230 = tpu.memref_slice %arg2[%dma_wait3A_228, %dma_wait3A_229] : memref<10000x128xf32, #tpu.memory_space<hbm>> -> memref<10000x128xf32, #tpu.memory_space<hbm>>
      tpu.wait_indirect_dma semaphore(%arg28 : memref<!tpu.dma_semaphore, #tpu.memory_space<semaphore_mem>>) src(%dma_wait3A_230 : memref<10000x128xf32, #tpu.memory_space<hbm>>) dst(%arg19 : memref<80x128xf32, #tpu.memory_space<vmem>>)
      %dma_start3A_231 = arith.constant 0 : i32
      %dma_start3A_232 = arith.constant 0 : i32
      %dma_start3A_233 = tpu.memref_slice %arg20[%dma_start3A_231, %dma_start3A_232] : memref<10000x128xf32, #tpu.memory_space<vmem_shared>> -> memref<10000x128xf32, #tpu.memory_space<vmem_shared>>
      tpu.enqueue_indirect_dma source(%arg19 : memref<80x128xf32, #tpu.memory_space<vmem>>) target(%dma_start3A_233 : memref<10000x128xf32, #tpu.memory_space<vmem_shared>>) offsets(%arg15 : memref<80xi32, #tpu.memory_space<vmem>>) semaphore(%arg32 : memref<!tpu.dma_semaphore, #tpu.memory_space<semaphore_mem>>) {add = true}
    }
    %scan3A_37 = arith.constant 31 : i32
    %dma_wait3A_38 = arith.constant 0 : i32
    %dma_wait3A_39 = arith.constant 0 : i32
    %dma_wait3A_40 = tpu.memref_slice %arg2[%dma_wait3A_38, %dma_wait3A_39] : memref<10000x128xf32, #tpu.memory_space<hbm>> -> memref<10000x128xf32, #tpu.memory_space<hbm>>
    tpu.wait_indirect_dma semaphore(%arg25 : memref<!tpu.dma_semaphore, #tpu.memory_space<semaphore_mem>>) src(%dma_wait3A_40 : memref<10000x128xf32, #tpu.memory_space<hbm>>) dst(%arg16 : memref<80x128xf32, #tpu.memory_space<vmem>>)
    %dma_start3A_41 = arith.constant 0 : i32
    %dma_start3A_42 = arith.constant 0 : i32
    %dma_start3A_43 = tpu.memref_slice %arg20[%dma_start3A_41, %dma_start3A_42] : memref<10000x128xf32, #tpu.memory_space<vmem_shared>> -> memref<10000x128xf32, #tpu.memory_space<vmem_shared>>
    tpu.enqueue_indirect_dma source(%arg16 : memref<80x128xf32, #tpu.memory_space<vmem>>) target(%dma_start3A_43 : memref<10000x128xf32, #tpu.memory_space<vmem_shared>>) offsets(%arg12 : memref<80xi32, #tpu.memory_space<vmem>>) semaphore(%arg29 : memref<!tpu.dma_semaphore, #tpu.memory_space<semaphore_mem>>) {add = true}
    %dma_wait3A_44 = arith.constant 0 : i32
    %dma_wait3A_45 = arith.constant 0 : i32
    %dma_wait3A_46 = tpu.memref_slice %arg20[%dma_wait3A_44, %dma_wait3A_45] : memref<10000x128xf32, #tpu.memory_space<vmem_shared>> -> memref<10000x128xf32, #tpu.memory_space<vmem_shared>>
    tpu.wait_indirect_dma semaphore(%arg31 : memref<!tpu.dma_semaphore, #tpu.memory_space<semaphore_mem>>) src(%arg18 : memref<80x128xf32, #tpu.memory_space<vmem>>) dst(%dma_wait3A_46 : memref<10000x128xf32, #tpu.memory_space<vmem_shared>>)
    %dma_wait3A_47 = arith.constant 0 : i32
    %dma_wait3A_48 = arith.constant 0 : i32
    %dma_wait3A_49 = tpu.memref_slice %arg20[%dma_wait3A_47, %dma_wait3A_48] : memref<10000x128xf32, #tpu.memory_space<vmem_shared>> -> memref<10000x128xf32, #tpu.memory_space<vmem_shared>>
    tpu.wait_indirect_dma semaphore(%arg32 : memref<!tpu.dma_semaphore, #tpu.memory_space<semaphore_mem>>) src(%arg19 : memref<80x128xf32, #tpu.memory_space<vmem>>) dst(%dma_wait3A_49 : memref<10000x128xf32, #tpu.memory_space<vmem_shared>>)
    %dma_wait3A_50 = arith.constant 0 : i32
    %dma_wait3A_51 = arith.constant 0 : i32
    %dma_wait3A_52 = tpu.memref_slice %arg20[%dma_wait3A_50, %dma_wait3A_51] : memref<10000x128xf32, #tpu.memory_space<vmem_shared>> -> memref<10000x128xf32, #tpu.memory_space<vmem_shared>>
    tpu.wait_indirect_dma semaphore(%arg29 : memref<!tpu.dma_semaphore, #tpu.memory_space<semaphore_mem>>) src(%arg16 : memref<80x128xf32, #tpu.memory_space<vmem>>) dst(%dma_wait3A_52 : memref<10000x128xf32, #tpu.memory_space<vmem_shared>>)
    %barrier3A_53 = arith.constant 0 : index
    tpu.barrier barrier_id(%barrier3A_53)
    "tpu.region"() ({
      %run_scoped3A = tpu.sem_alloc : memref<!tpu.dma_semaphore, #tpu.memory_space<semaphore_mem>>
      %dma_start3A_87 = arith.constant 0 : i32
      %dma_start3A_88 = tpu.memref_slice %arg6[%add3A_7, %dma_start3A_87] : memref<20000x128xf32, #tpu.memory_space<hbm>> -> memref<640x128xf32, #tpu.memory_space<hbm>>
      %dma_start3A_89 = arith.constant 0 : i32
      %dma_start3A_90 = tpu.memref_slice %arg20[%mul3A_4, %dma_start3A_89] : memref<10000x128xf32, #tpu.memory_space<vmem_shared>> -> memref<640x128xf32, #tpu.memory_space<vmem_shared>>
      tpu.enqueue_dma source(%dma_start3A_90 : memref<640x128xf32, #tpu.memory_space<vmem_shared>>) target(%dma_start3A_88 : memref<640x128xf32, #tpu.memory_space<hbm>>) target_semaphore(%run_scoped3A : memref<!tpu.dma_semaphore, #tpu.memory_space<semaphore_mem>>)
      %dma_wait3A_91 = arith.constant 0 : i32
      %dma_wait3A_92 = tpu.memref_slice %arg6[%add3A_7, %dma_wait3A_91] : memref<20000x128xf32, #tpu.memory_space<hbm>> -> memref<640x128xf32, #tpu.memory_space<hbm>>
      %dma_wait3A_93 = arith.constant 0 : i32
      %dma_wait3A_94 = tpu.memref_slice %arg20[%mul3A_4, %dma_wait3A_93] : memref<10000x128xf32, #tpu.memory_space<vmem_shared>> -> memref<640x128xf32, #tpu.memory_space<vmem_shared>>
      tpu.wait_dma2 semaphore(%run_scoped3A : memref<!tpu.dma_semaphore, #tpu.memory_space<semaphore_mem>>) src(%dma_wait3A_94 : memref<640x128xf32, #tpu.memory_space<vmem_shared>>) dst(%dma_wait3A_92 : memref<640x128xf32, #tpu.memory_space<hbm>>)
      tpu.yield
    }) : () -> ()
    %barrier3A_54 = arith.constant 0 : index
    tpu.barrier barrier_id(%barrier3A_54)
    "tpu.region"() ({
      %run_scoped3A = tpu.sem_alloc : memref<!tpu.dma_semaphore, #tpu.memory_space<semaphore_mem>>
      %dma_start3A_87 = arith.constant 0 : i32
      %dma_start3A_88 = tpu.memref_slice %arg20[%mul3A_4, %dma_start3A_87] : memref<10000x128xf32, #tpu.memory_space<vmem_shared>> -> memref<640x128xf32, #tpu.memory_space<vmem_shared>>
      %dma_start3A_89 = arith.constant 0 : i32
      %dma_start3A_90 = tpu.memref_slice %arg4[%mul3A_4, %dma_start3A_89] : memref<10000x128xf32, #tpu.memory_space<hbm>> -> memref<640x128xf32, #tpu.memory_space<hbm>>
      tpu.enqueue_dma source(%dma_start3A_90 : memref<640x128xf32, #tpu.memory_space<hbm>>) target(%dma_start3A_88 : memref<640x128xf32, #tpu.memory_space<vmem_shared>>) target_semaphore(%run_scoped3A : memref<!tpu.dma_semaphore, #tpu.memory_space<semaphore_mem>>)
      %dma_wait3A_91 = arith.constant 0 : i32
      %dma_wait3A_92 = tpu.memref_slice %arg20[%mul3A_4, %dma_wait3A_91] : memref<10000x128xf32, #tpu.memory_space<vmem_shared>> -> memref<640x128xf32, #tpu.memory_space<vmem_shared>>
      %dma_wait3A_93 = arith.constant 0 : i32
      %dma_wait3A_94 = tpu.memref_slice %arg4[%mul3A_4, %dma_wait3A_93] : memref<10000x128xf32, #tpu.memory_space<hbm>> -> memref<640x128xf32, #tpu.memory_space<hbm>>
      tpu.wait_dma2 semaphore(%run_scoped3A : memref<!tpu.dma_semaphore, #tpu.memory_space<semaphore_mem>>) src(%dma_wait3A_94 : memref<640x128xf32, #tpu.memory_space<hbm>>) dst(%dma_wait3A_92 : memref<640x128xf32, #tpu.memory_space<vmem_shared>>)
      tpu.yield
    }) : () -> ()
    "tpu.region"() ({
      %run_scoped3A = tpu.sem_alloc : memref<!tpu.dma_semaphore, #tpu.memory_space<semaphore_mem>>
      tpu.enqueue_dma source(%arg5 : memref<80x128xf32, #tpu.memory_space<hbm>>) target(%arg16 : memref<80x128xf32, #tpu.memory_space<vmem>>) target_semaphore(%run_scoped3A : memref<!tpu.dma_semaphore, #tpu.memory_space<semaphore_mem>>)
      tpu.wait_dma2 semaphore(%run_scoped3A : memref<!tpu.dma_semaphore, #tpu.memory_space<semaphore_mem>>) src(%arg5 : memref<80x128xf32, #tpu.memory_space<hbm>>) dst(%arg16 : memref<80x128xf32, #tpu.memory_space<vmem>>)
      tpu.yield
    }) : () -> ()
    %barrier3A_55 = arith.constant 0 : index
    tpu.barrier barrier_id(%barrier3A_55)
    %add3A_56 = arith.constant 0 : i32
    %add3A_57 = arith.addi %mul3A_2, %add3A_56 : i32
    %dma_start3A_58 = tpu.memref_slice %arg3[%add3A_57] : memref<640000xi32, #tpu.memory_space<hbm>> -> memref<80xi32, #tpu.memory_space<hbm>>
    %dma_start3A_59 = tpu.memref_slice %arg3[%add3A_57] : memref<640000xi32, #tpu.memory_space<hbm>> -> memref<80xi32, #tpu.memory_space<hbm>>
    tpu.enqueue_dma source(%dma_start3A_59 : memref<80xi32, #tpu.memory_space<hbm>>) target(%arg12 : memref<80xi32, #tpu.memory_space<vmem>>) target_semaphore(%arg21 : memref<!tpu.dma_semaphore, #tpu.memory_space<semaphore_mem>>)
    %add3A_60 = arith.constant 80 : i32
    %add3A_61 = arith.addi %mul3A_2, %add3A_60 : i32
    %dma_start3A_62 = tpu.memref_slice %arg3[%add3A_61] : memref<640000xi32, #tpu.memory_space<hbm>> -> memref<80xi32, #tpu.memory_space<hbm>>
    %dma_start3A_63 = tpu.memref_slice %arg3[%add3A_61] : memref<640000xi32, #tpu.memory_space<hbm>> -> memref<80xi32, #tpu.memory_space<hbm>>
    tpu.enqueue_dma source(%dma_start3A_63 : memref<80xi32, #tpu.memory_space<hbm>>) target(%arg13 : memref<80xi32, #tpu.memory_space<vmem>>) target_semaphore(%arg22 : memref<!tpu.dma_semaphore, #tpu.memory_space<semaphore_mem>>)
    %scan3A_64 = arith.constant 0 : i32
    %scan3A_65 = arith.constant 0 : i32
    %scan3A_66 = arith.constant 31 : i32
    %scan3A_67 = arith.addi %scan3A_65, %scan3A_66 : i32
    %scan3A_68 = arith.constant 1 : i32
    scf.for %scan3A_87 = %scan3A_65 to %scan3A_67 step %scan3A_68  : i32 {
      %mul3A_88 = arith.constant 4 : i32
      %mul3A_89 = arith.muli %scan3A_87, %mul3A_88 : i32
      %add3A_90 = arith.constant 0 : i32
      %add3A_91 = arith.addi %mul3A_89, %add3A_90 : i32
      %gt3A = arith.constant 0 : i32
      %gt3A_92 = arith.cmpi sgt, %scan3A_87, %gt3A : i32
      %convert_element_type3A = arith.extui %gt3A_92 : i1 to i32
      %cond3A = arith.constant 0 : i32
      %cond3A_93 = arith.cmpi ne, %convert_element_type3A, %cond3A : i32
      scf.if %cond3A_93 {
        %dma_wait3A_174 = arith.constant 0 : i32
        %dma_wait3A_175 = arith.constant 0 : i32
        %dma_wait3A_176 = tpu.memref_slice %arg20[%dma_wait3A_174, %dma_wait3A_175] : memref<10000x128xf32, #tpu.memory_space<vmem_shared>> -> memref<10000x128xf32, #tpu.memory_space<vmem_shared>>
        tpu.wait_indirect_dma semaphore(%arg31 : memref<!tpu.dma_semaphore, #tpu.memory_space<semaphore_mem>>) src(%arg16 : memref<80x128xf32, #tpu.memory_space<vmem>>) dst(%dma_wait3A_176 : memref<10000x128xf32, #tpu.memory_space<vmem_shared>>)
      } else {
      }
      %add3A_94 = arith.constant 2 : i32
      %add3A_95 = arith.addi %add3A_91, %add3A_94 : i32
      %mul3A_96 = arith.constant 80 : i32
      %mul3A_97 = arith.muli %add3A_95, %mul3A_96 : i32
      %add3A_98 = arith.addi %mul3A_2, %mul3A_97 : i32
      %dma_start3A_99 = tpu.memref_slice %arg3[%add3A_98] : memref<640000xi32, #tpu.memory_space<hbm>> -> memref<80xi32, #tpu.memory_space<hbm>>
      %dma_start3A_100 = tpu.memref_slice %arg3[%add3A_98] : memref<640000xi32, #tpu.memory_space<hbm>> -> memref<80xi32, #tpu.memory_space<hbm>>
      tpu.enqueue_dma source(%dma_start3A_100 : memref<80xi32, #tpu.memory_space<hbm>>) target(%arg14 : memref<80xi32, #tpu.memory_space<vmem>>) target_semaphore(%arg23 : memref<!tpu.dma_semaphore, #tpu.memory_space<semaphore_mem>>)
      %mul3A_101 = arith.constant 80 : i32
      %mul3A_102 = arith.muli %add3A_91, %mul3A_101 : i32
      %add3A_103 = arith.addi %mul3A_2, %mul3A_102 : i32
      %dma_wait3A_104 = tpu.memref_slice %arg3[%add3A_103] : memref<640000xi32, #tpu.memory_space<hbm>> -> memref<80xi32, #tpu.memory_space<hbm>>
      %dma_wait3A_105 = tpu.memref_slice %arg3[%add3A_103] : memref<640000xi32, #tpu.memory_space<hbm>> -> memref<80xi32, #tpu.memory_space<hbm>>
      tpu.wait_dma2 semaphore(%arg21 : memref<!tpu.dma_semaphore, #tpu.memory_space<semaphore_mem>>) src(%dma_wait3A_105 : memref<80xi32, #tpu.memory_space<hbm>>) dst(%arg12 : memref<80xi32, #tpu.memory_space<vmem>>)
      %dma_start3A_106 = arith.constant 0 : i32
      %dma_start3A_107 = arith.constant 0 : i32
      %dma_start3A_108 = tpu.memref_slice %arg20[%dma_start3A_106, %dma_start3A_107] : memref<10000x128xf32, #tpu.memory_space<vmem_shared>> -> memref<10000x128xf32, #tpu.memory_space<vmem_shared>>
      tpu.enqueue_indirect_dma source(%arg16 : memref<80x128xf32, #tpu.memory_space<vmem>>) target(%dma_start3A_108 : memref<10000x128xf32, #tpu.memory_space<vmem_shared>>) offsets(%arg12 : memref<80xi32, #tpu.memory_space<vmem>>) semaphore(%arg29 : memref<!tpu.dma_semaphore, #tpu.memory_space<semaphore_mem>>) {add = true}
      %mul3A_109 = arith.constant 4 : i32
      %mul3A_110 = arith.muli %scan3A_87, %mul3A_109 : i32
      %add3A_111 = arith.constant 1 : i32
      %add3A_112 = arith.addi %mul3A_110, %add3A_111 : i32
      %gt3A_113 = arith.constant 0 : i32
      %gt3A_114 = arith.cmpi sgt, %scan3A_87, %gt3A_113 : i32
      %convert_element_type3A_115 = arith.extui %gt3A_114 : i1 to i32
      %cond3A_116 = arith.constant 0 : i32
      %cond3A_117 = arith.cmpi ne, %convert_element_type3A_115, %cond3A_116 : i32
      scf.if %cond3A_117 {
        %dma_wait3A_174 = arith.constant 0 : i32
        %dma_wait3A_175 = arith.constant 0 : i32
        %dma_wait3A_176 = tpu.memref_slice %arg20[%dma_wait3A_174, %dma_wait3A_175] : memref<10000x128xf32, #tpu.memory_space<vmem_shared>> -> memref<10000x128xf32, #tpu.memory_space<vmem_shared>>
        tpu.wait_indirect_dma semaphore(%arg32 : memref<!tpu.dma_semaphore, #tpu.memory_space<semaphore_mem>>) src(%arg16 : memref<80x128xf32, #tpu.memory_space<vmem>>) dst(%dma_wait3A_176 : memref<10000x128xf32, #tpu.memory_space<vmem_shared>>)
      } else {
      }
      %add3A_118 = arith.constant 2 : i32
      %add3A_119 = arith.addi %add3A_112, %add3A_118 : i32
      %mul3A_120 = arith.constant 80 : i32
      %mul3A_121 = arith.muli %add3A_119, %mul3A_120 : i32
      %add3A_122 = arith.addi %mul3A_2, %mul3A_121 : i32
      %dma_start3A_123 = tpu.memref_slice %arg3[%add3A_122] : memref<640000xi32, #tpu.memory_space<hbm>> -> memref<80xi32, #tpu.memory_space<hbm>>
      %dma_start3A_124 = tpu.memref_slice %arg3[%add3A_122] : memref<640000xi32, #tpu.memory_space<hbm>> -> memref<80xi32, #tpu.memory_space<hbm>>
      tpu.enqueue_dma source(%dma_start3A_124 : memref<80xi32, #tpu.memory_space<hbm>>) target(%arg15 : memref<80xi32, #tpu.memory_space<vmem>>) target_semaphore(%arg24 : memref<!tpu.dma_semaphore, #tpu.memory_space<semaphore_mem>>)
      %mul3A_125 = arith.constant 80 : i32
      %mul3A_126 = arith.muli %add3A_112, %mul3A_125 : i32
      %add3A_127 = arith.addi %mul3A_2, %mul3A_126 : i32
      %dma_wait3A_128 = tpu.memref_slice %arg3[%add3A_127] : memref<640000xi32, #tpu.memory_space<hbm>> -> memref<80xi32, #tpu.memory_space<hbm>>
      %dma_wait3A_129 = tpu.memref_slice %arg3[%add3A_127] : memref<640000xi32, #tpu.memory_space<hbm>> -> memref<80xi32, #tpu.memory_space<hbm>>
      tpu.wait_dma2 semaphore(%arg22 : memref<!tpu.dma_semaphore, #tpu.memory_space<semaphore_mem>>) src(%dma_wait3A_129 : memref<80xi32, #tpu.memory_space<hbm>>) dst(%arg13 : memref<80xi32, #tpu.memory_space<vmem>>)
      %dma_start3A_130 = arith.constant 0 : i32
      %dma_start3A_131 = arith.constant 0 : i32
      %dma_start3A_132 = tpu.memref_slice %arg20[%dma_start3A_130, %dma_start3A_131] : memref<10000x128xf32, #tpu.memory_space<vmem_shared>> -> memref<10000x128xf32, #tpu.memory_space<vmem_shared>>
      tpu.enqueue_indirect_dma source(%arg16 : memref<80x128xf32, #tpu.memory_space<vmem>>) target(%dma_start3A_132 : memref<10000x128xf32, #tpu.memory_space<vmem_shared>>) offsets(%arg13 : memref<80xi32, #tpu.memory_space<vmem>>) semaphore(%arg30 : memref<!tpu.dma_semaphore, #tpu.memory_space<semaphore_mem>>) {add = true}
      %mul3A_133 = arith.constant 4 : i32
      %mul3A_134 = arith.muli %scan3A_87, %mul3A_133 : i32
      %add3A_135 = arith.constant 2 : i32
      %add3A_136 = arith.addi %mul3A_134, %add3A_135 : i32
      %dma_wait3A_137 = arith.constant 0 : i32
      %dma_wait3A_138 = arith.constant 0 : i32
      %dma_wait3A_139 = tpu.memref_slice %arg20[%dma_wait3A_137, %dma_wait3A_138] : memref<10000x128xf32, #tpu.memory_space<vmem_shared>> -> memref<10000x128xf32, #tpu.memory_space<vmem_shared>>
      tpu.wait_indirect_dma semaphore(%arg29 : memref<!tpu.dma_semaphore, #tpu.memory_space<semaphore_mem>>) src(%arg16 : memref<80x128xf32, #tpu.memory_space<vmem>>) dst(%dma_wait3A_139 : memref<10000x128xf32, #tpu.memory_space<vmem_shared>>)
      %add3A_140 = arith.constant 2 : i32
      %add3A_141 = arith.addi %add3A_136, %add3A_140 : i32
      %mul3A_142 = arith.constant 80 : i32
      %mul3A_143 = arith.muli %add3A_141, %mul3A_142 : i32
      %add3A_144 = arith.addi %mul3A_2, %mul3A_143 : i32
      %dma_start3A_145 = tpu.memref_slice %arg3[%add3A_144] : memref<640000xi32, #tpu.memory_space<hbm>> -> memref<80xi32, #tpu.memory_space<hbm>>
      %dma_start3A_146 = tpu.memref_slice %arg3[%add3A_144] : memref<640000xi32, #tpu.memory_space<hbm>> -> memref<80xi32, #tpu.memory_space<hbm>>
      tpu.enqueue_dma source(%dma_start3A_146 : memref<80xi32, #tpu.memory_space<hbm>>) target(%arg12 : memref<80xi32, #tpu.memory_space<vmem>>) target_semaphore(%arg21 : memref<!tpu.dma_semaphore, #tpu.memory_space<semaphore_mem>>)
      %mul3A_147 = arith.constant 80 : i32
      %mul3A_148 = arith.muli %add3A_136, %mul3A_147 : i32
      %add3A_149 = arith.addi %mul3A_2, %mul3A_148 : i32
      %dma_wait3A_150 = tpu.memref_slice %arg3[%add3A_149] : memref<640000xi32, #tpu.memory_space<hbm>> -> memref<80xi32, #tpu.memory_space<hbm>>
      %dma_wait3A_151 = tpu.memref_slice %arg3[%add3A_149] : memref<640000xi32, #tpu.memory_space<hbm>> -> memref<80xi32, #tpu.memory_space<hbm>>
      tpu.wait_dma2 semaphore(%arg23 : memref<!tpu.dma_semaphore, #tpu.memory_space<semaphore_mem>>) src(%dma_wait3A_151 : memref<80xi32, #tpu.memory_space<hbm>>) dst(%arg14 : memref<80xi32, #tpu.memory_space<vmem>>)
      %dma_start3A_152 = arith.constant 0 : i32
      %dma_start3A_153 = arith.constant 0 : i32
      %dma_start3A_154 = tpu.memref_slice %arg20[%dma_start3A_152, %dma_start3A_153] : memref<10000x128xf32, #tpu.memory_space<vmem_shared>> -> memref<10000x128xf32, #tpu.memory_space<vmem_shared>>
      tpu.enqueue_indirect_dma source(%arg16 : memref<80x128xf32, #tpu.memory_space<vmem>>) target(%dma_start3A_154 : memref<10000x128xf32, #tpu.memory_space<vmem_shared>>) offsets(%arg14 : memref<80xi32, #tpu.memory_space<vmem>>) semaphore(%arg31 : memref<!tpu.dma_semaphore, #tpu.memory_space<semaphore_mem>>) {add = true}
      %mul3A_155 = arith.constant 4 : i32
      %mul3A_156 = arith.muli %scan3A_87, %mul3A_155 : i32
      %add3A_157 = arith.constant 3 : i32
      %add3A_158 = arith.addi %mul3A_156, %add3A_157 : i32
      %dma_wait3A_159 = arith.constant 0 : i32
      %dma_wait3A_160 = arith.constant 0 : i32
      %dma_wait3A_161 = tpu.memref_slice %arg20[%dma_wait3A_159, %dma_wait3A_160] : memref<10000x128xf32, #tpu.memory_space<vmem_shared>> -> memref<10000x128xf32, #tpu.memory_space<vmem_shared>>
      tpu.wait_indirect_dma semaphore(%arg30 : memref<!tpu.dma_semaphore, #tpu.memory_space<semaphore_mem>>) src(%arg16 : memref<80x128xf32, #tpu.memory_space<vmem>>) dst(%dma_wait3A_161 : memref<10000x128xf32, #tpu.memory_space<vmem_shared>>)
      %lt3A = arith.constant 30 : i32
      %lt3A_162 = arith.cmpi slt, %scan3A_87, %lt3A : i32
      %convert_element_type3A_163 = arith.extui %lt3A_162 : i1 to i32
      %cond3A_164 = arith.constant 0 : i32
      %cond3A_165 = arith.cmpi ne, %convert_element_type3A_163, %cond3A_164 : i32
      scf.if %cond3A_165 {
        %add3A_174 = arith.constant 2 : i32
        %add3A_175 = arith.addi %add3A_158, %add3A_174 : i32
        %mul3A_176 = arith.constant 80 : i32
        %mul3A_177 = arith.muli %add3A_175, %mul3A_176 : i32
        %add3A_178 = arith.addi %mul3A_2, %mul3A_177 : i32
        %dma_start3A_179 = tpu.memref_slice %arg3[%add3A_178] : memref<640000xi32, #tpu.memory_space<hbm>> -> memref<80xi32, #tpu.memory_space<hbm>>
        %dma_start3A_180 = tpu.memref_slice %arg3[%add3A_178] : memref<640000xi32, #tpu.memory_space<hbm>> -> memref<80xi32, #tpu.memory_space<hbm>>
        tpu.enqueue_dma source(%dma_start3A_180 : memref<80xi32, #tpu.memory_space<hbm>>) target(%arg13 : memref<80xi32, #tpu.memory_space<vmem>>) target_semaphore(%arg22 : memref<!tpu.dma_semaphore, #tpu.memory_space<semaphore_mem>>)
      } else {
      }
      %mul3A_166 = arith.constant 80 : i32
      %mul3A_167 = arith.muli %add3A_158, %mul3A_166 : i32
      %add3A_168 = arith.addi %mul3A_2, %mul3A_167 : i32
      %dma_wait3A_169 = tpu.memref_slice %arg3[%add3A_168] : memref<640000xi32, #tpu.memory_space<hbm>> -> memref<80xi32, #tpu.memory_space<hbm>>
      %dma_wait3A_170 = tpu.memref_slice %arg3[%add3A_168] : memref<640000xi32, #tpu.memory_space<hbm>> -> memref<80xi32, #tpu.memory_space<hbm>>
      tpu.wait_dma2 semaphore(%arg24 : memref<!tpu.dma_semaphore, #tpu.memory_space<semaphore_mem>>) src(%dma_wait3A_170 : memref<80xi32, #tpu.memory_space<hbm>>) dst(%arg15 : memref<80xi32, #tpu.memory_space<vmem>>)
      %dma_start3A_171 = arith.constant 0 : i32
      %dma_start3A_172 = arith.constant 0 : i32
      %dma_start3A_173 = tpu.memref_slice %arg20[%dma_start3A_171, %dma_start3A_172] : memref<10000x128xf32, #tpu.memory_space<vmem_shared>> -> memref<10000x128xf32, #tpu.memory_space<vmem_shared>>
      tpu.enqueue_indirect_dma source(%arg16 : memref<80x128xf32, #tpu.memory_space<vmem>>) target(%dma_start3A_173 : memref<10000x128xf32, #tpu.memory_space<vmem_shared>>) offsets(%arg15 : memref<80xi32, #tpu.memory_space<vmem>>) semaphore(%arg32 : memref<!tpu.dma_semaphore, #tpu.memory_space<semaphore_mem>>) {add = true}
    }
    %scan3A_69 = arith.constant 31 : i32
    %add3A_70 = arith.constant 9920 : i32
    %add3A_71 = arith.addi %mul3A_2, %add3A_70 : i32
    %dma_wait3A_72 = tpu.memref_slice %arg3[%add3A_71] : memref<640000xi32, #tpu.memory_space<hbm>> -> memref<80xi32, #tpu.memory_space<hbm>>
    %dma_wait3A_73 = tpu.memref_slice %arg3[%add3A_71] : memref<640000xi32, #tpu.memory_space<hbm>> -> memref<80xi32, #tpu.memory_space<hbm>>
    tpu.wait_dma2 semaphore(%arg21 : memref<!tpu.dma_semaphore, #tpu.memory_space<semaphore_mem>>) src(%dma_wait3A_73 : memref<80xi32, #tpu.memory_space<hbm>>) dst(%arg12 : memref<80xi32, #tpu.memory_space<vmem>>)
    %dma_start3A_74 = arith.constant 0 : i32
    %dma_start3A_75 = arith.constant 0 : i32
    %dma_start3A_76 = tpu.memref_slice %arg20[%dma_start3A_74, %dma_start3A_75] : memref<10000x128xf32, #tpu.memory_space<vmem_shared>> -> memref<10000x128xf32, #tpu.memory_space<vmem_shared>>
    tpu.enqueue_indirect_dma source(%arg16 : memref<80x128xf32, #tpu.memory_space<vmem>>) target(%dma_start3A_76 : memref<10000x128xf32, #tpu.memory_space<vmem_shared>>) offsets(%arg12 : memref<80xi32, #tpu.memory_space<vmem>>) semaphore(%arg29 : memref<!tpu.dma_semaphore, #tpu.memory_space<semaphore_mem>>) {add = true}
    %dma_wait3A_77 = arith.constant 0 : i32
    %dma_wait3A_78 = arith.constant 0 : i32
    %dma_wait3A_79 = tpu.memref_slice %arg20[%dma_wait3A_77, %dma_wait3A_78] : memref<10000x128xf32, #tpu.memory_space<vmem_shared>> -> memref<10000x128xf32, #tpu.memory_space<vmem_shared>>
    tpu.wait_indirect_dma semaphore(%arg31 : memref<!tpu.dma_semaphore, #tpu.memory_space<semaphore_mem>>) src(%arg16 : memref<80x128xf32, #tpu.memory_space<vmem>>) dst(%dma_wait3A_79 : memref<10000x128xf32, #tpu.memory_space<vmem_shared>>)
    %dma_wait3A_80 = arith.constant 0 : i32
    %dma_wait3A_81 = arith.constant 0 : i32
    %dma_wait3A_82 = tpu.memref_slice %arg20[%dma_wait3A_80, %dma_wait3A_81] : memref<10000x128xf32, #tpu.memory_space<vmem_shared>> -> memref<10000x128xf32, #tpu.memory_space<vmem_shared>>
    tpu.wait_indirect_dma semaphore(%arg32 : memref<!tpu.dma_semaphore, #tpu.memory_space<semaphore_mem>>) src(%arg16 : memref<80x128xf32, #tpu.memory_space<vmem>>) dst(%dma_wait3A_82 : memref<10000x128xf32, #tpu.memory_space<vmem_shared>>)
    %dma_wait3A_83 = arith.constant 0 : i32
    %dma_wait3A_84 = arith.constant 0 : i32
    %dma_wait3A_85 = tpu.memref_slice %arg20[%dma_wait3A_83, %dma_wait3A_84] : memref<10000x128xf32, #tpu.memory_space<vmem_shared>> -> memref<10000x128xf32, #tpu.memory_space<vmem_shared>>
    tpu.wait_indirect_dma semaphore(%arg29 : memref<!tpu.dma_semaphore, #tpu.memory_space<semaphore_mem>>) src(%arg16 : memref<80x128xf32, #tpu.memory_space<vmem>>) dst(%dma_wait3A_85 : memref<10000x128xf32, #tpu.memory_space<vmem_shared>>)
    %barrier3A_86 = arith.constant 0 : index
    tpu.barrier barrier_id(%barrier3A_86)
    "tpu.region"() ({
      %run_scoped3A = tpu.sem_alloc : memref<!tpu.dma_semaphore, #tpu.memory_space<semaphore_mem>>
      %dma_start3A_87 = arith.constant 0 : i32
      %dma_start3A_88 = tpu.memref_slice %arg7[%add3A_7, %dma_start3A_87] : memref<20000x128xf32, #tpu.memory_space<hbm>> -> memref<640x128xf32, #tpu.memory_space<hbm>>
      %dma_start3A_89 = arith.constant 0 : i32
      %dma_start3A_90 = tpu.memref_slice %arg20[%mul3A_4, %dma_start3A_89] : memref<10000x128xf32, #tpu.memory_space<vmem_shared>> -> memref<640x128xf32, #tpu.memory_space<vmem_shared>>
      tpu.enqueue_dma source(%dma_start3A_90 : memref<640x128xf32, #tpu.memory_space<vmem_shared>>) target(%dma_start3A_88 : memref<640x128xf32, #tpu.memory_space<hbm>>) target_semaphore(%run_scoped3A : memref<!tpu.dma_semaphore, #tpu.memory_space<semaphore_mem>>)
      %dma_wait3A_91 = arith.constant 0 : i32
      %dma_wait3A_92 = tpu.memref_slice %arg7[%add3A_7, %dma_wait3A_91] : memref<20000x128xf32, #tpu.memory_space<hbm>> -> memref<640x128xf32, #tpu.memory_space<hbm>>
      %dma_wait3A_93 = arith.constant 0 : i32
      %dma_wait3A_94 = tpu.memref_slice %arg20[%mul3A_4, %dma_wait3A_93] : memref<10000x128xf32, #tpu.memory_space<vmem_shared>> -> memref<640x128xf32, #tpu.memory_space<vmem_shared>>
      tpu.wait_dma2 semaphore(%run_scoped3A : memref<!tpu.dma_semaphore, #tpu.memory_space<semaphore_mem>>) src(%dma_wait3A_94 : memref<640x128xf32, #tpu.memory_space<vmem_shared>>) dst(%dma_wait3A_92 : memref<640x128xf32, #tpu.memory_space<hbm>>)
      tpu.yield
    }) : () -> ()
    return
  }
}

module attributes {stable_mosaic.version = 14 : i64} {
  func.func @_msg_body(%arg0: i32, %arg1: memref<1000x128xf32, #tpu.memory_space<vmem>>, %arg2: memref<128x128xf32, #tpu.memory_space<vmem>>, %arg3: memref<1x128xf32, #tpu.memory_space<vmem>>, %arg4: memref<128x128xf32, #tpu.memory_space<vmem>>, %arg5: memref<1x128xf32, #tpu.memory_space<vmem>>, %arg6: memref<1000x128xf32, #tpu.memory_space<vmem>>) attributes {dimension_semantics = [#tpu.dimension_semantics<arbitrary>], iteration_bounds = array<i64: 10>, scalar_prefetch = 0 : i64, scratch_operands = 0 : i64, tpu.core_type = #tpu.core_type<tc>, window_params = [{transform_indices = @transform_0, window_bounds = array<i64: 1000, 128>}, {pipeline_mode = #tpu.pipeline_mode<synchronous>, transform_indices = @transform_1, window_bounds = array<i64: 128, 128>}, {pipeline_mode = #tpu.pipeline_mode<synchronous>, transform_indices = @transform_2, window_bounds = array<i64: 1, 128>}, {pipeline_mode = #tpu.pipeline_mode<synchronous>, transform_indices = @transform_3, window_bounds = array<i64: 128, 128>}, {pipeline_mode = #tpu.pipeline_mode<synchronous>, transform_indices = @transform_4, window_bounds = array<i64: 1, 128>}, {transform_indices = @transform_5, window_bounds = array<i64: 1000, 128>}]} {
    %get3A = arith.constant 0 : index
    %get3A_0 = arith.constant 0 : index
    %get3A_1 = vector.load %arg1[%get3A, %get3A_0] : memref<1000x128xf32, #tpu.memory_space<vmem>>, vector<1000x128xf32>
    %get3A_2 = arith.constant 0 : index
    %get3A_3 = arith.constant 0 : index
    %get3A_4 = vector.load %arg2[%get3A_2, %get3A_3] : memref<128x128xf32, #tpu.memory_space<vmem>>, vector<128x128xf32>
    %dot_general3A = arith.constant dense<0.000000e+00> : vector<1000x128xf32>
    %dot_general3A_5 = tpu.matmul %get3A_1, %get3A_4, %dot_general3A {dimension_numbers = #tpu.dot_dimension_numbers<[1], [0], [0], [1], [0, 0, 1, 1], [], []>, transpose_lhs_hint = false} : vector<1000x128xf32>, vector<128x128xf32>, vector<1000x128xf32> -> vector<1000x128xf32>
    %get3A_6 = arith.constant 0 : index
    %get3A_7 = arith.constant 0 : index
    %get3A_8 = vector.load %arg3[%get3A_6, %get3A_7] : memref<1x128xf32, #tpu.memory_space<vmem>>, vector<1x128xf32>
    %add3A = vector.broadcast %get3A_8 : vector<1x128xf32> to vector<1000x128xf32>
    %add3A_9 = arith.addf %dot_general3A_5, %add3A : vector<1000x128xf32>
    %max3A = arith.constant 0.000000e+00 : f32
    %max3A_10 = vector.broadcast %max3A : f32 to vector<1000x128xf32>
    %max3A_11 = arith.maximumf %add3A_9, %max3A_10 : vector<1000x128xf32>
    %get3A_12 = arith.constant 0 : index
    %get3A_13 = arith.constant 0 : index
    %get3A_14 = vector.load %arg4[%get3A_12, %get3A_13] : memref<128x128xf32, #tpu.memory_space<vmem>>, vector<128x128xf32>
    %dot_general3A_15 = arith.constant dense<0.000000e+00> : vector<1000x128xf32>
    %dot_general3A_16 = tpu.matmul %max3A_11, %get3A_14, %dot_general3A_15 {dimension_numbers = #tpu.dot_dimension_numbers<[1], [0], [0], [1], [0, 0, 1, 1], [], []>, transpose_lhs_hint = false} : vector<1000x128xf32>, vector<128x128xf32>, vector<1000x128xf32> -> vector<1000x128xf32>
    %get3A_17 = arith.constant 0 : index
    %get3A_18 = arith.constant 0 : index
    %get3A_19 = vector.load %arg5[%get3A_17, %get3A_18] : memref<1x128xf32, #tpu.memory_space<vmem>>, vector<1x128xf32>
    %add3A_20 = vector.broadcast %get3A_19 : vector<1x128xf32> to vector<1000x128xf32>
    %add3A_21 = arith.addf %dot_general3A_16, %add3A_20 : vector<1000x128xf32>
    %max3A_22 = arith.constant 0.000000e+00 : f32
    %max3A_23 = vector.broadcast %max3A_22 : f32 to vector<1000x128xf32>
    %max3A_24 = arith.maximumf %add3A_21, %max3A_23 : vector<1000x128xf32>
    %swap3A = arith.constant 0 : index
    %swap3A_25 = arith.constant 0 : index
    %swap3A_26 = vector.load %arg6[%swap3A, %swap3A_25] : memref<1000x128xf32, #tpu.memory_space<vmem>>, vector<1000x128xf32>
    tpu.vector_store %arg6[%swap3A, %swap3A_25], %max3A_24 {strides = array<i32>} : memref<1000x128xf32, #tpu.memory_space<vmem>>, vector<1000x128xf32>,
    return
  }
  func.func @transform_0(%arg0: i32) -> (i32, i32) {
    %c0_i32 = arith.constant 0 : i32
    %c0_i32_0 = arith.constant 0 : i32
    return %arg0, %c0_i32 : i32, i32
  }
  func.func @transform_1(%arg0: i32) -> (i32, i32) {
    %c0_i32 = arith.constant 0 : i32
    %c0_i32_0 = arith.constant 0 : i32
    %c0_i32_1 = arith.constant 0 : i32
    return %c0_i32, %c0_i32_0 : i32, i32
  }
  func.func @transform_2(%arg0: i32) -> (i32, i32) {
    %c0_i32 = arith.constant 0 : i32
    %c0_i32_0 = arith.constant 0 : i32
    %c0_i32_1 = arith.constant 0 : i32
    return %c0_i32, %c0_i32_0 : i32, i32
  }
  func.func @transform_3(%arg0: i32) -> (i32, i32) {
    %c0_i32 = arith.constant 0 : i32
    %c0_i32_0 = arith.constant 0 : i32
    %c0_i32_1 = arith.constant 0 : i32
    return %c0_i32, %c0_i32_0 : i32, i32
  }
  func.func @transform_4(%arg0: i32) -> (i32, i32) {
    %c0_i32 = arith.constant 0 : i32
    %c0_i32_0 = arith.constant 0 : i32
    %c0_i32_1 = arith.constant 0 : i32
    return %c0_i32, %c0_i32_0 : i32, i32
  }
  func.func @transform_5(%arg0: i32) -> (i32, i32) {
    %c0_i32 = arith.constant 0 : i32
    %c0_i32_0 = arith.constant 0 : i32
    return %arg0, %c0_i32 : i32, i32
  }
}

module attributes {stable_mosaic.version = 14 : i64} {
  func.func @_upd_body(%arg0: i32, %arg1: memref<1000x128xf32, #tpu.memory_space<vmem>>, %arg2: memref<1000x128xf32, #tpu.memory_space<vmem>>, %arg3: memref<1000x128xf32, #tpu.memory_space<vmem>>, %arg4: memref<1000x128xf32, #tpu.memory_space<vmem>>, %arg5: memref<1000x128xf32, #tpu.memory_space<vmem>>, %arg6: memref<128x128xf32, #tpu.memory_space<vmem>>, %arg7: memref<128x128xf32, #tpu.memory_space<vmem>>, %arg8: memref<1x128xf32, #tpu.memory_space<vmem>>, %arg9: memref<128x128xf32, #tpu.memory_space<vmem>>, %arg10: memref<1x128xf32, #tpu.memory_space<vmem>>, %arg11: memref<1000x128xf32, #tpu.memory_space<vmem>>) attributes {dimension_semantics = [#tpu.dimension_semantics<arbitrary>], iteration_bounds = array<i64: 10>, scalar_prefetch = 0 : i64, scratch_operands = 0 : i64, tpu.core_type = #tpu.core_type<tc>, window_params = [{transform_indices = @transform_0, window_bounds = array<i64: 1000, 128>}, {transform_indices = @transform_1, window_bounds = array<i64: 1000, 128>}, {transform_indices = @transform_2, window_bounds = array<i64: 1000, 128>}, {transform_indices = @transform_3, window_bounds = array<i64: 1000, 128>}, {transform_indices = @transform_4, window_bounds = array<i64: 1000, 128>}, {pipeline_mode = #tpu.pipeline_mode<synchronous>, transform_indices = @transform_5, window_bounds = array<i64: 128, 128>}, {pipeline_mode = #tpu.pipeline_mode<synchronous>, transform_indices = @transform_6, window_bounds = array<i64: 128, 128>}, {pipeline_mode = #tpu.pipeline_mode<synchronous>, transform_indices = @transform_7, window_bounds = array<i64: 1, 128>}, {pipeline_mode = #tpu.pipeline_mode<synchronous>, transform_indices = @transform_8, window_bounds = array<i64: 128, 128>}, {pipeline_mode = #tpu.pipeline_mode<synchronous>, transform_indices = @transform_9, window_bounds = array<i64: 1, 128>}, {transform_indices = @transform_10, window_bounds = array<i64: 1000, 128>}]} {
    %get3A = arith.constant 0 : index
    %get3A_0 = arith.constant 0 : index
    %get3A_1 = vector.load %arg2[%get3A, %get3A_0] : memref<1000x128xf32, #tpu.memory_space<vmem>>, vector<1000x128xf32>
    %get3A_2 = arith.constant 0 : index
    %get3A_3 = arith.constant 0 : index
    %get3A_4 = vector.load %arg3[%get3A_2, %get3A_3] : memref<1000x128xf32, #tpu.memory_space<vmem>>, vector<1000x128xf32>
    %add3A = arith.addf %get3A_1, %get3A_4 : vector<1000x128xf32>
    %get3A_5 = arith.constant 0 : index
    %get3A_6 = arith.constant 0 : index
    %get3A_7 = vector.load %arg4[%get3A_5, %get3A_6] : memref<1000x128xf32, #tpu.memory_space<vmem>>, vector<1000x1xf32>
    %get3A_8 = arith.constant 0 : index
    %get3A_9 = arith.constant 0 : index
    %get3A_10 = vector.load %arg5[%get3A_8, %get3A_9] : memref<1000x128xf32, #tpu.memory_space<vmem>>, vector<1000x1xf32>
    %add3A_11 = arith.addf %get3A_7, %get3A_10 : vector<1000x1xf32>
    %max3A = arith.constant 1.000000e+00 : f32
    %max3A_12 = vector.broadcast %max3A : f32 to vector<1000x1xf32>
    %max3A_13 = arith.maximumf %add3A_11, %max3A_12 : vector<1000x1xf32>
    %div3A = vector.broadcast %max3A_13 : vector<1000x1xf32> to vector<1000x128xf32>
    %div3A_14 = arith.divf %add3A, %div3A : vector<1000x128xf32>
    %get3A_15 = arith.constant 0 : index
    %get3A_16 = arith.constant 0 : index
    %get3A_17 = vector.load %arg1[%get3A_15, %get3A_16] : memref<1000x128xf32, #tpu.memory_space<vmem>>, vector<1000x128xf32>
    %get3A_18 = arith.constant 0 : index
    %get3A_19 = arith.constant 0 : index
    %get3A_20 = vector.load %arg6[%get3A_18, %get3A_19] : memref<128x128xf32, #tpu.memory_space<vmem>>, vector<128x128xf32>
    %dot_general3A = arith.constant dense<0.000000e+00> : vector<1000x128xf32>
    %dot_general3A_21 = tpu.matmul %get3A_17, %get3A_20, %dot_general3A {dimension_numbers = #tpu.dot_dimension_numbers<[1], [0], [0], [1], [0, 0, 1, 1], [], []>, transpose_lhs_hint = false} : vector<1000x128xf32>, vector<128x128xf32>, vector<1000x128xf32> -> vector<1000x128xf32>
    %get3A_22 = arith.constant 0 : index
    %get3A_23 = arith.constant 0 : index
    %get3A_24 = vector.load %arg7[%get3A_22, %get3A_23] : memref<128x128xf32, #tpu.memory_space<vmem>>, vector<128x128xf32>
    %dot_general3A_25 = arith.constant dense<0.000000e+00> : vector<1000x128xf32>
    %dot_general3A_26 = tpu.matmul %div3A_14, %get3A_24, %dot_general3A_25 {dimension_numbers = #tpu.dot_dimension_numbers<[1], [0], [0], [1], [0, 0, 1, 1], [], []>, transpose_lhs_hint = false} : vector<1000x128xf32>, vector<128x128xf32>, vector<1000x128xf32> -> vector<1000x128xf32>
    %add3A_27 = arith.addf %dot_general3A_21, %dot_general3A_26 : vector<1000x128xf32>
    %get3A_28 = arith.constant 0 : index
    %get3A_29 = arith.constant 0 : index
    %get3A_30 = vector.load %arg8[%get3A_28, %get3A_29] : memref<1x128xf32, #tpu.memory_space<vmem>>, vector<1x128xf32>
    %add3A_31 = vector.broadcast %get3A_30 : vector<1x128xf32> to vector<1000x128xf32>
    %add3A_32 = arith.addf %add3A_27, %add3A_31 : vector<1000x128xf32>
    %max3A_33 = arith.constant 0.000000e+00 : f32
    %max3A_34 = vector.broadcast %max3A_33 : f32 to vector<1000x128xf32>
    %max3A_35 = arith.maximumf %add3A_32, %max3A_34 : vector<1000x128xf32>
    %get3A_36 = arith.constant 0 : index
    %get3A_37 = arith.constant 0 : index
    %get3A_38 = vector.load %arg9[%get3A_36, %get3A_37] : memref<128x128xf32, #tpu.memory_space<vmem>>, vector<128x128xf32>
    %dot_general3A_39 = arith.constant dense<0.000000e+00> : vector<1000x128xf32>
    %dot_general3A_40 = tpu.matmul %max3A_35, %get3A_38, %dot_general3A_39 {dimension_numbers = #tpu.dot_dimension_numbers<[1], [0], [0], [1], [0, 0, 1, 1], [], []>, transpose_lhs_hint = false} : vector<1000x128xf32>, vector<128x128xf32>, vector<1000x128xf32> -> vector<1000x128xf32>
    %get3A_41 = arith.constant 0 : index
    %get3A_42 = arith.constant 0 : index
    %get3A_43 = vector.load %arg10[%get3A_41, %get3A_42] : memref<1x128xf32, #tpu.memory_space<vmem>>, vector<1x128xf32>
    %add3A_44 = vector.broadcast %get3A_43 : vector<1x128xf32> to vector<1000x128xf32>
    %add3A_45 = arith.addf %dot_general3A_40, %add3A_44 : vector<1000x128xf32>
    %swap3A = arith.constant 0 : index
    %swap3A_46 = arith.constant 0 : index
    %swap3A_47 = vector.load %arg11[%swap3A, %swap3A_46] : memref<1000x128xf32, #tpu.memory_space<vmem>>, vector<1000x128xf32>
    tpu.vector_store %arg11[%swap3A, %swap3A_46], %add3A_45 {strides = array<i32>} : memref<1000x128xf32, #tpu.memory_space<vmem>>, vector<1000x128xf32>,
    return
  }
  func.func @transform_0(%arg0: i32) -> (i32, i32) {
    %c0_i32 = arith.constant 0 : i32
    %c0_i32_0 = arith.constant 0 : i32
    return %arg0, %c0_i32 : i32, i32
  }
  func.func @transform_1(%arg0: i32) -> (i32, i32) {
    %c0_i32 = arith.constant 0 : i32
    %c0_i32_0 = arith.constant 0 : i32
    return %arg0, %c0_i32 : i32, i32
  }
  func.func @transform_2(%arg0: i32) -> (i32, i32) {
    %add3A = arith.constant 10 : i32
    %add3A_0 = arith.addi %arg0, %add3A : i32
    %c0_i32 = arith.constant 0 : i32
    %c0_i32_1 = arith.constant 0 : i32
    return %add3A_0, %c0_i32 : i32, i32
  }
  func.func @transform_3(%arg0: i32) -> (i32, i32) {
    %c0_i32 = arith.constant 0 : i32
    %c0_i32_0 = arith.constant 0 : i32
    return %arg0, %c0_i32 : i32, i32
  }
  func.func @transform_4(%arg0: i32) -> (i32, i32) {
    %add3A = arith.constant 10 : i32
    %add3A_0 = arith.addi %arg0, %add3A : i32
    %c0_i32 = arith.constant 0 : i32
    %c0_i32_1 = arith.constant 0 : i32
    return %add3A_0, %c0_i32 : i32, i32
  }
  func.func @transform_5(%arg0: i32) -> (i32, i32) {
    %c0_i32 = arith.constant 0 : i32
    %c0_i32_0 = arith.constant 0 : i32
    %c0_i32_1 = arith.constant 0 : i32
    return %c0_i32, %c0_i32_0 : i32, i32
  }
  func.func @transform_6(%arg0: i32) -> (i32, i32) {
    %c0_i32 = arith.constant 0 : i32
    %c0_i32_0 = arith.constant 0 : i32
    %c0_i32_1 = arith.constant 0 : i32
    return %c0_i32, %c0_i32_0 : i32, i32
  }
  func.func @transform_7(%arg0: i32) -> (i32, i32) {
    %c0_i32 = arith.constant 0 : i32
    %c0_i32_0 = arith.constant 0 : i32
    %c0_i32_1 = arith.constant 0 : i32
    return %c0_i32, %c0_i32_0 : i32, i32
  }
  func.func @transform_8(%arg0: i32) -> (i32, i32) {
    %c0_i32 = arith.constant 0 : i32
    %c0_i32_0 = arith.constant 0 : i32
    %c0_i32_1 = arith.constant 0 : i32
    return %c0_i32, %c0_i32_0 : i32, i32
  }
  func.func @transform_9(%arg0: i32) -> (i32, i32) {
    %c0_i32 = arith.constant 0 : i32
    %c0_i32_0 = arith.constant 0 : i32
    %c0_i32_1 = arith.constant 0 : i32
    return %c0_i32, %c0_i32_0 : i32, i32
  }
  func.func @transform_10(%arg0: i32) -> (i32, i32) {
    %c0_i32 = arith.constant 0 : i32
    %c0_i32_0 = arith.constant 0 : i32
    return %arg0, %c0_i32 : i32, i32
  }
}

</mosaic_0001>

<sc_bundles>
// kernel: kernel.5.cloned.1.call-start
scs
__scs_entry_jumppad:
0x0: {  	(pc) =	sbr.rel $0x88, $3  }
0x1: {  	(tag) =	ssettag $0x0;
	lr =	simm.s32 $0x1  }
0x2: {  	[smem:$0x3F97] =	sst lr;
	_ =	strace $0xD0000000  }
0x3: {  	_ = 	snop  }
0x4: {  	_ = 	snop  }
0x5: {  	_ = 	snop  }
0x6: {  	_ = 	snop  }
0x7: {  	_ = 	snop  }
__scs_overlays_trampoline_lowered:
0x8: {  	[smem:$0x3FA6] =	sst s0  }
0x9: {  	[smem:$0x3FA7] =	sst s1  }
0xa: {  	[smem:$0x3FA8] =	sst s2  }
0xb: {  	[smem:$0x3FA9] =	sst s3  }
0xc: {  	[smem:$0x3FAA] =	sst s4  }
0xd: {  	[smem:$0x3FAB] =	sst s5  }
0xe: {  	[smem:$0x3FAC] =	sst s6  }
0xf: {  	[smem:$0x3FAD] =	sst s7  }
0x10: {  	[smem:$0x3FAE] =	sst s8  }
0x11: {  	[smem:$0x3FAF] =	sst s9;
	s0 =	simm.s32 @!p0 $0x0  }
0x12: {  	s1 =	sld [smem:$0x3F95];
	s0 =	simm.s32 @p0 $0x1  }
0x13: {  	[smem:$0x3FB0] =	sst s0;
	s0 =	simm.s32 @!p1 $0x0  }
0x14: {  	s2 =	sld [smem:$0x3F94];
	s0 =	simm.s32 @p1 $0x1  }
0x15: {  	[smem:$0x3FB1] =	sst s0;
	s0 =	simm.s32 @!p2 $0x0  }
0x16: {  	s3 =	sld [smem:$0x3FDB];
	s0 =	simm.s32 @p2 $0x1  }
0x17: {  	s4 =	simm.s32 $0x1BF5;
	[smem:$0x3FB3] =	sst s0  }
0x18: {  	s0 =	sld [smem:$0x3F96];
	_ =	swait.ge [sflag:s4], $0x0  }
0x19: {  	s7 =	sld [smem:$0x3F97]  }
0x1a: {  	s8 =	sadd.s32 $0xFFFFE003, lr  }
0x1b: {  	s9 =	sadd.s32 $0xFFFFFEF7, lr;
	s5 =	simm.s32 $0xFFFFFFFF;
	p2 =	slt.u32 s8, $0xFFFFF086  }
0x1c: {  	p1 =	slt.u32 s9, $0xF7A;
	s5 =	simm.s32 @!p2 $0x0  }
0x1d: {  	s5 =	simm.s32 @p1 $0x1;
	p0 =	seq.s32 s7, s2  }
0x1e: {  	s7 =	smul.u32 @!p0 $0xF7A, s2;
	p2 =	seq.s32 @!p0 s5, $0x0  }
0x1f: {  	s9 =	smul.u32 $0xF7A, s1;
	s8 =	simm.s32 @!p0 $0x1BF5;
	p2 =	por !p2, p0  }
0x20: {  	[sflag:s8] =	ssyncset.s32 @!p0 $0xFFFFF086;
	s6 =	sadd.s32 @!p0 s3, s7;
	s7 =	simm.s32 @!p0 $0x108  }
0x21: {  	s3 =	sadd.s32 s3, s9;
	s6 =	sadd.s32 @!p0 $0x88, s6;
	s7 =	simm.s32 @p2 $0x1082  }
0x22: {  	[simem:s7], [sflag:s8] =	dma.local @!p0 [hbm:s6], $0xF7A  }
0x23: {  	s9 =	sor.u32 $0xD0000000, s2;
	s6 =	simm.s32 $0x108;
	_ =	swait.ge @!p0 [sflag:s8], $0x0  }
0x24: {  	s3 =	sadd.s32 $0x88, s3;
	s6 =	simm.s32 @!p1 $0x1082;
	[sflag:s4] =	ssyncset.s32 $0xFFFFF086  }
0x25: {  	[simem:s6], [sflag:s4] =	dma.local [hbm:s3], $0xF7A  }
0x26: {  	[smem:$0x3F97] =	sst s1;
	(tag) =	ssettag s2;
	_ =	strace s9  }
0x27: {  	s1 =	sld [smem:$0x3FA7]  }
0x28: {  	s2 =	sld [smem:$0x3FA8]  }
0x29: {  	s4 =	sld [smem:$0x3FAA]  }
0x2a: {  	p0 =	seq.s32 s5, $0x0;
	s5 =	sld [smem:$0x3FAB]  }
0x2b: {  	s6 =	sld [smem:$0x3FAC]  }
0x2c: {  	s7 =	sld [smem:$0x3FAD]  }
0x2d: {  	s3 =	simm.s32 $0x108;
	s8 =	sld [smem:$0x3FAE]  }
0x2e: {  	s3 =	simm.s32 @!p0 $0x1082;
	s9 =	sld [smem:$0x3FAF]  }
0x2f: {  	lr =	sadd.s32 s0, s3;
	s0 =	sld [smem:$0x3FA6]  }
0x30: {  	s3 =	sld [smem:$0x3FA9]  }
0x31: {  	[smem:$0x3FB2] =	sst s10  }
0x32: {  	s10 =	sld [smem:$0x3FB0];
	_ =	sdelay $0x3  }
0x33: {  	p0 =	seq.s32 s10, $0x1;
	s10 =	sld [smem:$0x3FB2];
	_ =	sdelay $0x3  }
0x34: {  	[smem:$0x3FB2] =	sst s10  }
0x35: {  	s10 =	sld [smem:$0x3FB1];
	_ =	sdelay $0x3  }
0x36: {  	p1 =	seq.s32 s10, $0x1;
	s10 =	sld [smem:$0x3FB2];
	_ =	sdelay $0x3  }
0x37: {  	[smem:$0x3FB2] =	sst s10  }
0x38: {  	s10 =	sld [smem:$0x3FB3]  }
0x39: {  	_ = 	snop;
	(pc) =	sbr.ind lr, $3  }
0x3a: {  	_ = 	snop  }
0x3b: {  	_ = 	snop  }
0x3c: {  	p2 =	seq.s32 s10, $0x1;
	s10 =	sld [smem:$0x3FB2]  }
0x3d: {  	_ =	shalt  }
0x3e: {  	_ =	shalt  }
0x3f: {  	_ =	shalt  }
0x40: {  	_ =	shalt  }
0x41: {  	_ =	shalt  }
0x42: {  	_ =	shalt  }
0x43: {  	_ =	shalt  }
0x44: {  	_ =	shalt  }
0x45: {  	_ =	shalt  }
0x46: {  	_ =	shalt  }
0x47: {  	_ =	shalt  }
0x48: {  	_ =	shalt  }
0x49: {  	_ =	shalt  }
0x4a: {  	_ =	shalt  }
0x4b: {  	_ =	shalt  }
0x4c: {  	_ =	shalt  }
0x4d: {  	_ =	shalt  }
0x4e: {  	_ =	shalt  }
0x4f: {  	_ =	shalt  }
0x50: {  	_ =	shalt  }
0x51: {  	_ =	shalt  }
0x52: {  	_ =	shalt  }
0x53: {  	_ =	shalt  }
0x54: {  	_ =	shalt  }
0x55: {  	_ =	shalt  }
0x56: {  	_ =	shalt  }
0x57: {  	_ =	shalt  }
0x58: {  	_ =	shalt  }
0x59: {  	_ =	shalt  }
0x5a: {  	_ =	shalt  }
0x5b: {  	_ =	shalt  }
0x5c: {  	_ =	shalt  }
0x5d: {  	_ =	shalt  }
0x5e: {  	_ =	shalt  }
0x5f: {  	_ =	shalt  }
0x60: {  	_ =	shalt  }
0x61: {  	_ =	shalt  }
0x62: {  	_ =	shalt  }
0x63: {  	_ =	shalt  }
0x64: {  	_ =	shalt  }
0x65: {  	_ =	shalt  }
0x66: {  	_ =	shalt  }
0x67: {  	_ =	shalt  }
0x68: {  	_ =	shalt  }
0x69: {  	_ =	shalt  }
0x6a: {  	_ =	shalt  }
0x6b: {  	_ =	shalt  }
0x6c: {  	_ =	shalt  }
0x6d: {  	_ =	shalt  }
0x6e: {  	_ =	shalt  }
0x6f: {  	_ =	shalt  }
0x70: {  	_ =	shalt  }
0x71: {  	_ =	shalt  }
0x72: {  	_ =	shalt  }
0x73: {  	_ =	shalt  }
0x74: {  	_ =	shalt  }
0x75: {  	_ =	shalt  }
0x76: {  	_ =	shalt  }
0x77: {  	_ =	shalt  }
0x78: {  	_ =	shalt  }
0x79: {  	_ =	shalt  }
0x7a: {  	_ =	shalt  }
0x7b: {  	_ =	shalt  }
0x7c: {  	_ =	shalt  }
0x7d: {  	_ =	shalt  }
0x7e: {  	_ =	shalt  }
0x7f: {  	_ =	shalt  }
0x80: {  	_ =	shalt  }
0x81: {  	_ =	shalt  }
0x82: {  	_ =	shalt  }
0x83: {  	_ =	shalt  }
0x84: {  	_ =	shalt  }
0x85: {  	_ =	shalt  }
0x86: {  	_ =	shalt  }
0x87: {  	_ =	shalt  }
.Lfunc_end0:
.L_simem_size_0:
called_computation_lowered:
.L_overlay_start_0:
0x88: {  	s2 =	sld [smem:$0x3FD9]  }
0x89: {  	s3 =	sld [smem:$0x3FFE];
	_ =	sdelay $0x1  }
0x8a: {  	s1 =	srdreg.scid  }
0x8b: {  	s0 =	sand.u32 $0x1, s1  }
0x8c: {  	s17 =	sshll.u32 s0, $0xA;
	s2 =	sadd.s32 s3, s2  }
0x8d: {  	s2 =	sadd.s32 s2, s17  }
0x8e: {  	[smem:$0x3FBE] =	sst s2  }
0x8f: {  	_ = 	snop  }
0x90: {  	s2 =	sld [smem:$0x3FD0];
	(tm) =	ssettm $0x1  }
0x91: {  	s18 =	sld [smem:$0x3FFB];
	_ =	sdelay $0x3  }
0x92: {  	_ =	strace s18  }
0x93: {  	s3 =	sld [smem:$0x3FFC];
	_ =	sdelay $0x3  }
0x94: {  	_ =	strace s3  }
0x95: {  	s3 =	sld [smem:$0x3FFD];
	_ =	sdelay $0x3  }
0x96: {  	_ =	strace s3  }
0x97: {  	_ =	strace $0x8FFFFFFF  }
0x98: {  	s19 =	sld [smem:$0x3FDB];
	_ =	sdelay $0x1  }
0x99: {  	s4 =	simm.s32 $_scs_section_size  }
0x9a: {  	s5 =	simm.s32 $_size__tile_overlayer_lowered;
	s6 =	simm.s32 $_tile_overlayer_lowered  }
0x9b: {  	s22 =	simm.s32 $0x1BFF;
	s21 =	sshll.u32 s6, $0x1;
	s3 =	sadd.s32 s4, s19  }
0x9c: {  	s7 =	simm.s32 $0x0;
	s20 =	sshll.u32 s5, $0x1;
	s5 =	sadd.s32 s21, s3  }
0x9d: {  	[timem:s7], [sflag:s22] =	dma.local [hbm:s5], s20  }
0x9e: {  	_ =	swait.ge [sflag:s22], s20  }
0x9f: {  	s4 =	ssub.s32 $0x0, s20;
	[sflag:s22] =	ssyncset.done $0x0  }
0xa0: {  	[sflag:s22] =	ssyncadd.s32 s4;
	_ =	sdelay $0x1  }
0xa1: {  	s23 =	simm.s32 $0x1B8B  }
0xa2: {  	_ =	swait.ge [sflag:s23], $0x1  }
0xa3: {  	[sflag:s23] =	ssyncset.done $0x0  }
0xa4: {  	s25 =	simm.s32 $0x1B8E;
	s24 =	sld [smem:$0x3FFE];
	[sflag:s23] =	ssyncadd.s32 $0xFFFFFFFF  }
0xa5: {  	s26 =	simm.s32 $execute0_lowered;
	[smem:$0x3FD2] =	sst s25  }
0xa6: {  	s5 =	sshll.u32 s26, $0x1;
	_ =	strace $0x80000046;
	[dreg:$0x1] =	wrdreg $0xFFFFFFFF  }
0xa7: {  	s28 =	simm.s32 $_size_execute0_lowered;
	s3 =	sadd.s32 s3, s5;
	[dreg:$0x0] =	wrdreg $0x0  }
0xa8: {  	s5 =	sshll.u32 s28, $0x1;
	[dreg:$0x2] =	wrdreg s3  }
0xa9: {  	[dreg:$0x3] =	wrdreg s5  }
0xaa: {  	[dreg:$0x4] =	wrdreg $0xC0  }
0xab: {  	_ =	task [dreg:s7], $0x5FFFF  }
0xac: {  	[dreg:$0x1] =	wrdreg $0xFFFFFFFF  }
0xad: {  	[dreg:$0x0] =	wrdreg $0x60  }
0xae: {  	[dreg:$0x2] =	wrdreg s2  }
0xaf: {  	[dreg:$0x3] =	wrdreg s24  }
0xb0: {  	[dreg:$0x4] =	wrdreg $0xA4000  }
0xb1: {  	[dreg:$0x5] =	wrdreg $0x9  }
0xb2: {  	_ =	task.clear_ibuf [dreg:s7], $0x6FFFF;
	_ =	strace $0x90000046  }
0xb3: {  	s29 =	simm.s32 $0x9;
	_ =	strace $0x80000048  }
0xb4: {  	_ =	swait.ge [sflag:s29], $0x1  }
0xb5: {  	[sflag:s29] =	ssyncadd.s32 $0xFFFFFFFF  }
0xb6: {  	_ =	strace $0x90000048  }
0xb7: {  	_ =	sfence  }
0xb8: {  	s30 =	sld [smem:$0x0];
	_ =	sdelay $0x2  }
0xb9: {  	s31 =	sshll.u32 s1, $0xD;
	s1 =	sshrl.u32 s1, $0x2  }
0xba: {  	s3 =	sand.u32 $0x4000, s31;
	s1 =	sadd.s32 s1, s30  }
0xbb: {  	s0 =	sor.u32 s3, s0;
	s1 =	sshll.u32 s1, $0x11  }
0xbc: {  	s0 =	sor.u32 s1, s0  }
0xbd: {  	s0 =	sadd.s32 $0x8F2B, s0  }
0xbe: {  	[sflag:s0] =	ssyncadd.remote.s32 $0x1  }
0xbf: {  	_ =	sfence.sel $0xFFFF  }
0xc0: {  	[dreg:$0x0] =	wrdreg $0xFFFFFFFF;
	(pc) =	sbr.abs _section_cstart, $3  }
0xc1: {  	[dreg:$0x1] =	wrdreg $0xFFFFFFFF  }
0xc2: {  	_ =	task.clear_ibuf [dreg:s7], $0x2FFFF;
	_ =	strace $0x9FFFFFFF  }
0xc3: {  	(tm) =	ssettm $0x7FFFFFFF  }
tec
execute0_lowered:
.L_overlay_start_1:
0x0: {  	(tag) =	ssettag $0x1  }
0x1: {  	s31 =	rddreg [dreg:$0x0]  }
0x2: {  	s0 =	rddreg [dreg:$0x1]  }
0x3: {  	s3 =	rddreg [dreg:$0x2]  }
0x4: {  	s10 =	stileid.u32;
	s5 =	srdreg.scid  }
0x5: {  	s4 =	simm.s32 $0x0;
	s29 =	simm.s32 $0x9;
	s1 =	smul.u32 $0x2700, s10  }
0x6: {  	s5 =	sand.u32 $0x1, s5;
	s6 =	smul.u32 $0x270, s10;
	[smem:$0x7FF] =	sst s4  }
0x7: {  	s26 =	sadd.s32 $0x2000, s0;
	s8 =	sadd.s32 $0x3CC00, s0;
	s25 =	smul.u32 $0x4E000, s10  }
0x8: {  	s7 =	smul.u32 $0x2710, s5;
	_ =	strace $0x80000047;
	[dreg:$0xb] =	wrdreg s8  }
0x9: {  	s24 =	sshll.u32 s5, $0x4;
	s2 =	ssub.s32 $0x2, s5;
	s5 =	smul.u32 $0x27100, s5  }
0xa: {  	s1 =	sadd.s32 s1, s0;
	s9 =	sshrl.u32 s2, $0x1;
	s8 =	sshrl.u32 s25, $0x2  }
0xb: {  	s6 =	sadd.s32 s6, s7;
	s7 =	sor.u32 s10, s24;
	s8 =	sadd.s32 s8, s3  }
0xc: {  	s21 =	sadd.s32 $0x15A00, s1;
	s6 =	sshll.u32 s6, $0x4;
	[dreg:$0xc] =	wrdreg s8  }
0xd: {  	s7 =	smul.u32 $0x2710, s7;
	[dreg:$0xd] =	wrdreg s21;
	s0 =	sadd.s32 s6, s0  }
0xe: {  	s6 =	ssub.s32 s2, s9;
	s9 =	sshll.u32 s10, $0x6;
	s12 =	sadd.s32 $0x3D200, s0  }
0xf: {  	s10 =	smul.u32 $0x2710, s10;
	s0 =	sadd.s32 $0x8B400, s0;
	[dreg:$0x13] =	wrdreg s12  }
0x10: {  	s7 =	sshrl.u32 s7, $0x3;
	s13 =	smax.u32 s6, $0x1;
	[dreg:$0x14] =	wrdreg s0  }
0x11: {  	s18 =	sor.u32 $0x1C0D, s9;
	s28 =	sadd.s32 s26, s7;
	[dreg:$0x15] =	wrdreg s13  }
0x12: {  	s0 =	sadd.s32 s10, s5;
	[dreg:$0xe] =	wrdreg s18;
	s7 =	sadd.s32 $0x9C40, s28  }
0x13: {  	s11 =	sadd.s32 $0x9C4A, s28;
	s30 =	sadd.s32 $0xA, s28;
	s14 =	sadd.s32 $0x14, s28  }
0x14: {  	s15 =	sadd.s32 $0x190, s0;
	s16 =	sadd.s32 $0x1E, s28;
	[dreg:$0xf] =	wrdreg s28  }
0x15: {  	s17 =	sadd.s32 $0x28, s28;
	s19 =	sadd.s32 $0x32, s28;
	[dreg:$0x10] =	wrdreg s7  }
0x16: {  	s20 =	sadd.s32 $0x4E390, s0;
	s23 =	sadd.s32 $0x4E340, s0;
	[dreg:$0x11] =	wrdreg s11  }
0x17: {  	s24 =	sadd.s32 $0xF0, s0;
	s6 =	sadd.s32 $0x4E2F0, s0;
	[dreg:$0x16] =	wrdreg s14  }
0x18: {  	s8 =	sadd.s32 $0xA0, s0;
	s9 =	sadd.s32 $0x4E2A0, s0;
	[dreg:$0x17] =	wrdreg s16  }
0x19: {  	s13 =	sadd.s32 $0x2D0, s0;
	[dreg:$0x18] =	wrdreg s17;
	s1 =	sshrl.u32 s15, $0x3  }
0x1a: {  	[dreg:$0x19] =	wrdreg s19;
	s22 =	sshrl.u32 s20, $0x3;
	s5 =	sshrl.u32 s23, $0x3  }
0x1b: {  	s2 =	sshrl.u32 s24, $0x3;
	s7 =	sshrl.u32 s6, $0x3;
	s11 =	sshrl.u32 s9, $0x3  }
0x1c: {  	s14 =	sadd.s32 $0x140, s0;
	s15 =	sshrl.u32 s13, $0x3;
	s16 =	sadd.s32 $0x280, s0  }
0x1d: {  	s17 =	sadd.s32 $0x230, s0;
	s0 =	sadd.s32 $0x1E0, s0;
	[dreg:$0x12] =	wrdreg s30  }
0x1e: {  	s20 =	sadd.s32 $0x4C4, s28;
	s23 =	sadd.s32 $0x4D8, s28;
	[dreg:$0x1a] =	wrdreg s14  }
0x1f: {  	s13 =	simm.s32 $0x80;
	s6 =	simm.s32 $0x1;
	[dreg:$0x1e] =	wrdreg s20  }
0x20: {  	s1 =	sadd.s32 s1, s26;
	s25 =	sadd.s32 s5, s26;
	[smem:$0x7FD] =	sst s23  }
0x21: {  	s5 =	sadd.s32 s2, s26;
	s12 =	sadd.s32 s11, s26;
	[dreg:$0x4] =	wrdreg s1  }
0x22: {  	s24 =	sadd.s32 s15, s26;
	s0 =	sshrl.u32 s0, $0x3;
	[dreg:$0x6] =	wrdreg s25  }
0x23: {  	s2 =	simm.s32 $0x200;
	s11 =	simm.s32 $0x400;
	[dreg:$0x7] =	wrdreg s5  }
0x24: {  	s14 =	simm.s32 $0x300;
	s15 =	simm.s32 $0x2;
	[dreg:$0xa] =	wrdreg s12  }
0x25: {  	s20 =	simm.s32 $0x3;
	s1 =	sadd.s32 s22, s26;
	[dreg:$0x1b] =	wrdreg s24  }
0x26: {  	s5 =	sshrl.u32 s8, $0x3;
	s22 =	sadd.s32 $0x4CE, s28;
	[dreg:$0x5] =	wrdreg s1  }
0x27: {  	s12 =	simm.s32 $0xD;
	s1 =	sadd.s32 s7, s26;
	[dreg:$0x1f] =	wrdreg s22  }
0x28: {  	s8 =	simm.s32 $0x4;
	s10 =	sadd.s32 s5, s26;
	[dreg:$0x8] =	wrdreg s1  }
0x29: {  	s5 =	sshrl.u32 s17, $0x3;
	s7 =	simm.s32 $0x50;
	[dreg:$0x9] =	wrdreg s10  }
0x2a: {  	s1 =	sshrl.u32 s16, $0x3;
	s19 =	sadd.s32 s5, s26;
	s16 =	sadd.s32 s0, s26  }
0x2b: {  	s10 =	simm.s32 $0xA;
	s25 =	sadd.s32 s1, s26;
	[dreg:$0x1d] =	wrdreg s19  }
0x2c: {  	s0 =	simm.s32 $0x0;
	s19 =	simm.s32 $0x380;
	[dreg:$0x1c] =	wrdreg s25  }
.LBB2_1:
0x2d: {  	s5 =	rddreg [dreg:$0xc]  }
0x2e: {  	[smem:$0x7FB] =	sst s0;
	s17 =	sshrl.u32 s5, $0x3  }
0x2f: {  	[smem:$0x7FC] =	sst s17  }
0x30: {  	[spmem:s17], [sflag:s18] =	dma.local [hbm:s21], $0x2800  }
0x31: {  	_ =	swait.ge [sflag:s12], $0x2800  }
0x32: {  	[sflag:s12] =	ssyncset.done $0x0  }
0x33: {  	[sflag:s12] =	ssyncadd.s32 $0xFFFFD800  }
0x34: {  	[bflag:$0x0] =	sbarrier.arrive $0xFFFF  }
0x35: {  	s22 =	rddreg [dreg:$0x10]  }
0x36: {  	[tilespmem:s4], [sflag:$0x1] =	stream.linear.gather [hbm4b:s22+s4], $0x50, $0x38;
	[tilespmem:$0x1DC80] =	vst v63  }
0x37: {  	_ = 	snop  }
0x38: {  	[tilespmem:s2], [sflag:$0x1] =	stream.linear.gather [hbm4b:s28+s4], $0x50, $0x38;
	[tilespmem:$0x1DC80] =	vst v63  }
0x39: {  	s23 =	rddreg [dreg:$0x11]  }
0x3a: {  	[tilespmem:s13], [sflag:$0x2] =	stream.linear.gather [hbm4b:s23+s4], $0x50, $0x38;
	[tilespmem:$0x1DC80] =	vst v63  }
0x3b: {  	s24 =	simm.s32 $0x280  }
0x3c: {  	[tilespmem:s24], [sflag:$0x2] =	stream.linear.gather [hbm4b:s30+s4], $0x50, $0x38;
	[tilespmem:$0x1DC80] =	vst v63  }
0x3d: {  	_ =	swait.ge [sflag:s6], $0x50  }
0x3e: {  	[sflag:s6] =	ssyncset.done $0x0  }
0x3f: {  	[sflag:s6] =	ssyncadd.s32 $0xFFFFFFB0  }
0x40: {  	_ =	swait.ge [sflag:s6], $0x50  }
0x41: {  	p0 =	por $0x1, $0x1;
	[sflag:s6] =	ssyncset.done $0x0  }
0x42: {  	s5 =	simm.s32 @!p0 $0xB;
	[sflag:s6] =	ssyncadd.s32 $0xFFFFFFB0  }
0x43: {  	[tilespmem:s11], [sflag:$0x5] =	stream.indirect.gather [hbm4b:s31+s7], $0x80, s4, s7, $0xb8;
	[tilespmem:$0x1DC80] =	vst v63  }
0x44: {  	_ =	swait.ge @!p0 [sflag:s5], $0x2800  }
0x45: {  	s17 =	simm.s32 $0x100;
	s22 =	rddreg [dreg:$0xa];
	[sflag:s5] =	ssyncset.done @!p0 $0x0  }
0x46: {  	s23 =	rddreg [dreg:$0x9];
	[sflag:s5] =	ssyncadd.s32 @!p0 $0xFFFFD800;
	s25 =	sadd.s32 $0x0, s22  }
0x47: {  	[tilespmem:s17], [sflag:$0x3] =	stream.linear.gather [hbm4b:s25+s4], $0x50, $0x38;
	[tilespmem:$0x1DC80] =	vst v63  }
0x48: {  	s0 =	sadd.s32 $0x0, s23  }
0x49: {  	[tilespmem:s14], [sflag:$0x3] =	stream.linear.gather [hbm4b:s0+s4], $0x50, $0x38;
	[tilespmem:$0x1DC80] =	vst v63  }
0x4a: {  	_ =	swait.ge [sflag:s15], $0x50  }
0x4b: {  	[sflag:s15] =	ssyncset.done $0x0  }
0x4c: {  	[sflag:s15] =	ssyncadd.s32 $0xFFFFFFB0  }
0x4d: {  	_ =	swait.ge [sflag:s15], $0x50  }
0x4e: {  	[sflag:s15] =	ssyncset.done $0x0  }
0x4f: {  	s21 =	simm.s32 $0x5;
	s28 =	simm.s32 $0x2C00;
	[sflag:s15] =	ssyncadd.s32 $0xFFFFFFB0  }
0x50: {  	[tilespmem:s28], [sflag:$0x6] =	stream.indirect.gather [hbm4b:s31+s7], $0x80, s13, s7, $0xb8;
	[tilespmem:$0x1DC80] =	vst v63  }
0x51: {  	_ =	swait.ge [sflag:s21], $0x2800  }
0x52: {  	[sflag:s21] =	ssyncset.done $0x0  }
0x53: {  	s5 =	simm.s32 @!p0 $0xC;
	[sflag:s21] =	ssyncadd.s32 $0xFFFFD800  }
0x54: {  	[spmem:s3] =	stream.indirect.scatter.add.f32 [tilespmem:s11], [sflag:$0x9], $0x80, s2, s7, $0xb8;
	[tilespmem:$0x1DC80] =	vst v63  }
0x55: {  	_ =	swait.ge @!p0 [sflag:s5], $0x2800  }
0x56: {  	s9 =	rddreg [dreg:$0x8]  }
0x57: {  	s1 =	smov.u32 s16;
	[sflag:s5] =	ssyncset.done @!p0 $0x0;
	s16 =	rddreg [dreg:$0x7]  }
0x58: {  	[sflag:s5] =	ssyncadd.s32 @!p0 $0xFFFFD800;
	s18 =	sadd.s32 $0x0, s9;
	s9 =	simm.s32 $0x180  }
0x59: {  	[tilespmem:s9], [sflag:$0x4] =	stream.linear.gather [hbm4b:s18+s4], $0x50, $0x38;
	[tilespmem:$0x1DC80] =	vst v63  }
0x5a: {  	s22 =	sadd.s32 $0x0, s16  }
0x5b: {  	[tilespmem:s19], [sflag:$0x4] =	stream.linear.gather [hbm4b:s22+s4], $0x50, $0x38;
	[tilespmem:$0x1DC80] =	vst v63  }
0x5c: {  	_ =	swait.ge [sflag:s20], $0x50  }
0x5d: {  	[sflag:s20] =	ssyncset.done $0x0  }
0x5e: {  	[sflag:s20] =	ssyncadd.s32 $0xFFFFFFB0  }
0x5f: {  	_ =	swait.ge [sflag:s20], $0x50  }
0x60: {  	[sflag:s20] =	ssyncset.done $0x0  }
0x61: {  	s30 =	simm.s32 $0x5400;
	s0 =	simm.s32 $0x6;
	[sflag:s20] =	ssyncadd.s32 $0xFFFFFFB0  }
0x62: {  	[tilespmem:s30], [sflag:$0x7] =	stream.indirect.gather [hbm4b:s31+s7], $0x80, s17, s7, $0xb8;
	[tilespmem:$0x1DC80] =	vst v63  }
0x63: {  	_ =	swait.ge [sflag:s0], $0x2800  }
0x64: {  	[sflag:s0] =	ssyncset.done $0x0  }
0x65: {  	[sflag:s0] =	ssyncadd.s32 $0xFFFFD800  }
0x66: {  	[spmem:s3] =	stream.indirect.scatter.add.f32 [tilespmem:s28], [sflag:$0xA], $0x80, s24, s7, $0xb8;
	[tilespmem:$0x1DC80] =	vst v63  }
0x67: {  	_ =	swait.ge [sflag:s29], $0x2800  }
0x68: {  	s23 =	rddreg [dreg:$0x6]  }
0x69: {  	[sflag:s29] =	ssyncset.done $0x0;
	s12 =	rddreg [dreg:$0x1a]  }
0x6a: {  	[sflag:s29] =	ssyncadd.s32 $0xFFFFD800;
	s24 =	sshrl.u32 s12, $0x3;
	s5 =	sadd.s32 $0x0, s23  }
0x6b: {  	[tilespmem:s4], [sflag:$0x1] =	stream.linear.gather [hbm4b:s5+s4], $0x50, $0x38;
	[tilespmem:$0x1DC80] =	vst v63  }
0x6c: {  	s25 =	sadd.s32 s26, s24  }
0x6d: {  	[tilespmem:s2], [sflag:$0x1] =	stream.linear.gather [hbm4b:s25+s4], $0x50, $0x38;
	[tilespmem:$0x1DC80] =	vst v63  }
0x6e: {  	_ =	swait.ge [sflag:s8], $0x50  }
0x6f: {  	[sflag:s8] =	ssyncset.done $0x0  }
0x70: {  	[sflag:s8] =	ssyncadd.s32 $0xFFFFFFB0  }
0x71: {  	_ =	swait.ge [sflag:s8], $0x50  }
0x72: {  	[sflag:s8] =	ssyncset.done $0x0  }
0x73: {  	s18 =	simm.s32 $0x7C00;
	s2 =	simm.s32 $0x7;
	[sflag:s8] =	ssyncadd.s32 $0xFFFFFFB0  }
0x74: {  	[tilespmem:s18], [sflag:$0x8] =	stream.indirect.gather [hbm4b:s31+s7], $0x80, s9, s7, $0xb8;
	[tilespmem:$0x1DC80] =	vst v63  }
0x75: {  	_ =	swait.ge [sflag:s2], $0x2800  }
0x76: {  	[sflag:s2] =	ssyncset.done $0x0  }
0x77: {  	p0 =	por $0x0, $0x0;
	[sflag:s2] =	ssyncadd.s32 $0xFFFFD800  }
0x78: {  	[spmem:s3] =	stream.indirect.scatter.add.f32 [tilespmem:s30], [sflag:$0xB], $0x80, s14, s7, $0xb8;
	[tilespmem:$0x1DC80] =	vst v63  }
0x79: {  	s23 =	simm.s32 @!p0 $0x0;
	_ =	swait.ge [sflag:s10], $0x2800  }
0x7a: {  	s24 =	simm.s32 @!p0 $0x80;
	s5 =	rddreg [dreg:$0x5];
	[sflag:s10] =	ssyncset.done $0x0  }
0x7b: {  	s22 =	rddreg [dreg:$0x4];
	[sflag:s10] =	ssyncadd.s32 $0xFFFFD800;
	s5 =	sadd.s32 @!p0 $0x0, s5  }
0x7c: {  	[tilespmem:s24], [sflag:$0x2] =	stream.linear.gather @!p0 [hbm4b:s5+s23], $0x50, $0x38;
	[tilespmem:$0x1DC80] =	vst v63  }
0x7d: {  	s22 =	sadd.s32 @!p0 $0x0, s22;
	s5 =	simm.s32 @!p0 $0x280  }
0x7e: {  	[tilespmem:s5], [sflag:$0x2] =	stream.linear.gather @!p0 [hbm4b:s22+s23], $0x50, $0x38;
	[tilespmem:$0x1DC80] =	vst v63  }
0x7f: {  	_ =	swait.ge [sflag:s6], $0x50  }
0x80: {  	[sflag:s6] =	ssyncset.done $0x0  }
0x81: {  	[sflag:s6] =	ssyncadd.s32 $0xFFFFFFB0  }
0x82: {  	_ =	swait.ge [sflag:s6], $0x50  }
0x83: {  	p1 =	por $0x0, $0x0;
	[sflag:s6] =	ssyncset.done $0x0  }
0x84: {  	s16 =	simm.s32 $0x8;
	s5 =	simm.s32 $0x28;
	[sflag:s6] =	ssyncadd.s32 $0xFFFFFFB0  }
0x85: {  	[tilespmem:s11], [sflag:$0x5] =	stream.indirect.gather [hbm4b:s31+s7], $0x80, s4, s7, $0xb8;
	[tilespmem:$0x1DC80] =	vst v63  }
0x86: {  	s23 =	simm.s32 $0x50;
	s22 =	sadd.s32 $0x140, s12;
	_ =	swait.ge [sflag:s16], $0x2800  }
.LBB2_2:
0x87: {  	[sflag:s16] =	ssyncset.done $0x0;
	s12 =	simm.s32 $0x8  }
0x88: {  	s25 =	simm.s32 @!p1 $0xB;
	[sflag:s12] =	ssyncadd.s32 $0xFFFFD800  }
0x89: {  	[spmem:s3] =	stream.indirect.scatter.add.f32 [tilespmem:s18], [sflag:$0xC], $0x80, s19, s7, $0xb8;
	[tilespmem:$0x1DC80] =	vst v63  }
0x8a: {  	_ =	swait.ge @!p1 [sflag:s25], $0x2800  }
0x8b: {  	[sflag:s25] =	ssyncset.done @!p1 $0x0;
	s12 =	rddreg [dreg:$0xa]  }
0x8c: {  	s16 =	rddreg [dreg:$0x9];
	[sflag:s25] =	ssyncadd.s32 @!p1 $0xFFFFD800;
	s12 =	sadd.s32 s5, s12  }
0x8d: {  	[tilespmem:s17], [sflag:$0x3] =	stream.linear.gather [hbm4b:s12+s4], $0x50, $0x38;
	[tilespmem:$0x1DC80] =	vst v63  }
0x8e: {  	s16 =	sadd.s32 s5, s16  }
0x8f: {  	[tilespmem:s14], [sflag:$0x3] =	stream.linear.gather [hbm4b:s16+s4], $0x50, $0x38;
	[tilespmem:$0x1DC80] =	vst v63  }
0x90: {  	_ =	swait.ge [sflag:s15], $0x50  }
0x91: {  	[sflag:s15] =	ssyncset.done $0x0  }
0x92: {  	[sflag:s15] =	ssyncadd.s32 $0xFFFFFFB0  }
0x93: {  	_ =	swait.ge [sflag:s15], $0x50  }
0x94: {  	[sflag:s15] =	ssyncset.done $0x0  }
0x95: {  	[sflag:s15] =	ssyncadd.s32 $0xFFFFFFB0  }
0x96: {  	[tilespmem:s28], [sflag:$0x6] =	stream.indirect.gather [hbm4b:s31+s7], $0x80, s13, s7, $0xb8;
	[tilespmem:$0x1DC80] =	vst v63  }
0x97: {  	_ =	swait.ge [sflag:s21], $0x2800  }
0x98: {  	[sflag:s21] =	ssyncset.done $0x0  }
0x99: {  	s12 =	simm.s32 @!p1 $0xC;
	s13 =	simm.s32 $0x200;
	[sflag:s21] =	ssyncadd.s32 $0xFFFFD800  }
0x9a: {  	[spmem:s3] =	stream.indirect.scatter.add.f32 [tilespmem:s11], [sflag:$0x9], $0x80, s13, s7, $0xb8;
	[tilespmem:$0x1DC80] =	vst v63  }
0x9b: {  	_ =	swait.ge @!p1 [sflag:s12], $0x2800  }
0x9c: {  	s25 =	rddreg [dreg:$0x8];
	[sflag:s12] =	ssyncset.done @!p1 $0x0  }
0x9d: {  	s16 =	rddreg [dreg:$0x7];
	[sflag:s12] =	ssyncadd.s32 @!p1 $0xFFFFD800;
	s25 =	sadd.s32 s5, s25  }
0x9e: {  	[tilespmem:s9], [sflag:$0x4] =	stream.linear.gather [hbm4b:s25+s4], $0x50, $0x38;
	[tilespmem:$0x1DC80] =	vst v63  }
0x9f: {  	s16 =	sadd.s32 s5, s16  }
0xa0: {  	[tilespmem:s19], [sflag:$0x4] =	stream.linear.gather [hbm4b:s16+s4], $0x50, $0x38;
	[tilespmem:$0x1DC80] =	vst v63  }
0xa1: {  	_ =	swait.ge [sflag:s20], $0x50  }
0xa2: {  	[sflag:s20] =	ssyncset.done $0x0  }
0xa3: {  	[sflag:s20] =	ssyncadd.s32 $0xFFFFFFB0  }
0xa4: {  	_ =	swait.ge [sflag:s20], $0x50  }
0xa5: {  	[sflag:s20] =	ssyncset.done $0x0  }
0xa6: {  	[sflag:s20] =	ssyncadd.s32 $0xFFFFFFB0  }
0xa7: {  	[tilespmem:s30], [sflag:$0x7] =	stream.indirect.gather [hbm4b:s31+s7], $0x80, s17, s7, $0xb8;
	[tilespmem:$0x1DC80] =	vst v63  }
0xa8: {  	_ =	swait.ge [sflag:s0], $0x2800  }
0xa9: {  	[sflag:s0] =	ssyncset.done $0x0  }
0xaa: {  	s25 =	simm.s32 $0x280;
	[sflag:s0] =	ssyncadd.s32 $0xFFFFD800  }
0xab: {  	[spmem:s3] =	stream.indirect.scatter.add.f32 [tilespmem:s28], [sflag:$0xA], $0x80, s25, s7, $0xb8;
	[tilespmem:$0x1DC80] =	vst v63  }
0xac: {  	_ =	swait.ge [sflag:s29], $0x2800  }
0xad: {  	s16 =	rddreg [dreg:$0x6];
	[sflag:s29] =	ssyncset.done $0x0  }
0xae: {  	s25 =	sshrl.u32 s22, $0x3;
	[sflag:s29] =	ssyncadd.s32 $0xFFFFD800;
	s12 =	sadd.s32 s5, s16  }
0xaf: {  	[tilespmem:s4], [sflag:$0x1] =	stream.linear.gather [hbm4b:s12+s4], $0x50, $0x38;
	[tilespmem:$0x1DC80] =	vst v63  }
0xb0: {  	s25 =	sadd.s32 s26, s25  }
0xb1: {  	[tilespmem:s13], [sflag:$0x1] =	stream.linear.gather [hbm4b:s25+s4], $0x50, $0x38;
	[tilespmem:$0x1DC80] =	vst v63  }
0xb2: {  	_ =	swait.ge [sflag:s8], $0x50  }
0xb3: {  	[sflag:s8] =	ssyncset.done $0x0  }
0xb4: {  	[sflag:s8] =	ssyncadd.s32 $0xFFFFFFB0  }
0xb5: {  	_ =	swait.ge [sflag:s8], $0x50  }
0xb6: {  	[sflag:s8] =	ssyncset.done $0x0  }
0xb7: {  	[sflag:s8] =	ssyncadd.s32 $0xFFFFFFB0  }
0xb8: {  	[tilespmem:s18], [sflag:$0x8] =	stream.indirect.gather [hbm4b:s31+s7], $0x80, s9, s7, $0xb8;
	[tilespmem:$0x1DC80] =	vst v63  }
0xb9: {  	_ =	swait.ge [sflag:s2], $0x2800  }
0xba: {  	[sflag:s2] =	ssyncset.done $0x0  }
0xbb: {  	p1 =	seq.s32 s5, $0x4B0;
	[sflag:s2] =	ssyncadd.s32 $0xFFFFD800  }
0xbc: {  	[spmem:s3] =	stream.indirect.scatter.add.f32 [tilespmem:s30], [sflag:$0xB], $0x80, s14, s7, $0xb8;
	[tilespmem:$0x1DC80] =	vst v63  }
0xbd: {  	s25 =	simm.s32 @!p1 $0x0;
	_ =	swait.ge [sflag:s10], $0x2800  }
0xbe: {  	s18 =	simm.s32 @!p1 $0x80;
	s12 =	rddreg [dreg:$0x5];
	[sflag:s10] =	ssyncset.done $0x0  }
0xbf: {  	s16 =	rddreg [dreg:$0x4];
	[sflag:s10] =	ssyncadd.s32 $0xFFFFD800;
	s12 =	sadd.s32 @!p1 s5, s12  }
0xc0: {  	[tilespmem:s18], [sflag:$0x2] =	stream.linear.gather @!p1 [hbm4b:s12+s25], $0x50, $0x38;
	[tilespmem:$0x1DC80] =	vst v63  }
0xc1: {  	s13 =	simm.s32 @!p1 $0x280;
	s12 =	sadd.s32 @!p1 s5, s16  }
0xc2: {  	[tilespmem:s13], [sflag:$0x2] =	stream.linear.gather @!p1 [hbm4b:s12+s25], $0x50, $0x38;
	[tilespmem:$0x1DC80] =	vst v63  }
0xc3: {  	_ =	swait.ge [sflag:s6], $0x50  }
0xc4: {  	s24 =	smov.u32 s23;
	s23 =	sadd.s32 $0x28, s23;
	[sflag:s6] =	ssyncset.done $0x0  }
0xc5: {  	p0 =	sne.s32 s23, $0x4D8;
	[sflag:s6] =	ssyncadd.s32 $0xFFFFFFB0  }
.Ltmp0:
0xc6: {  	_ =	swait.ge [sflag:s6], $0x50;
	(pc) =	sbr.rel @p0 .LBB2_2-.Ltmp0, $4  }
0xc7: {  	s22 =	sadd.s32 $0x140, s22;
	s18 =	simm.s32 $0x7C00;
	[sflag:s6] =	ssyncset.done $0x0  }
0xc8: {  	s5 =	smov.u32 s24;
	s16 =	simm.s32 $0x8;
	[sflag:s6] =	ssyncadd.s32 $0xFFFFFFB0  }
0xc9: {  	[tilespmem:s11], [sflag:$0x5] =	stream.indirect.gather [hbm4b:s31+s7], $0x80, s4, s7, $0xb8;
	[tilespmem:$0x1DC80] =	vst v63  }
0xca: {  	s13 =	simm.s32 $0x80;
	p1 =	seq.s32 s5, $0x0;
	_ =	swait.ge [sflag:s16], $0x2800  }
0xcb: {  	[sflag:s16] =	ssyncset.done $0x0  }
0xcc: {  	s12 =	simm.s32 @!p1 $0xB;
	[sflag:s16] =	ssyncadd.s32 $0xFFFFD800  }
0xcd: {  	[spmem:s3] =	stream.indirect.scatter.add.f32 [tilespmem:s18], [sflag:$0xC], $0x80, s19, s7, $0xb8;
	[tilespmem:$0x1DC80] =	vst v63  }
0xce: {  	_ =	swait.ge @!p1 [sflag:s12], $0x2800  }
0xcf: {  	s23 =	rddreg [dreg:$0xa];
	[sflag:s12] =	ssyncset.done @!p1 $0x0  }
0xd0: {  	s18 =	rddreg [dreg:$0x9];
	[sflag:s12] =	ssyncadd.s32 @!p1 $0xFFFFD800;
	s23 =	sadd.s32 s5, s23  }
0xd1: {  	[tilespmem:s17], [sflag:$0x3] =	stream.linear.gather [hbm4b:s23+s4], $0x50, $0x38;
	[tilespmem:$0x1DC80] =	vst v63  }
0xd2: {  	s16 =	sadd.s32 s5, s18  }
0xd3: {  	[tilespmem:s14], [sflag:$0x3] =	stream.linear.gather [hbm4b:s16+s4], $0x50, $0x38;
	[tilespmem:$0x1DC80] =	vst v63  }
0xd4: {  	_ =	swait.ge [sflag:s15], $0x50  }
0xd5: {  	[sflag:s15] =	ssyncset.done $0x0  }
0xd6: {  	[sflag:s15] =	ssyncadd.s32 $0xFFFFFFB0  }
0xd7: {  	_ =	swait.ge [sflag:s15], $0x50  }
0xd8: {  	[sflag:s15] =	ssyncset.done $0x0  }
0xd9: {  	[sflag:s15] =	ssyncadd.s32 $0xFFFFFFB0  }
0xda: {  	[tilespmem:s28], [sflag:$0x6] =	stream.indirect.gather [hbm4b:s31+s7], $0x80, s13, s7, $0xb8;
	[tilespmem:$0x1DC80] =	vst v63  }
0xdb: {  	_ =	swait.ge [sflag:s21], $0x2800  }
0xdc: {  	[sflag:s21] =	ssyncset.done $0x0  }
0xdd: {  	s12 =	simm.s32 @!p1 $0xC;
	s13 =	simm.s32 $0x200;
	[sflag:s21] =	ssyncadd.s32 $0xFFFFD800  }
0xde: {  	[spmem:s3] =	stream.indirect.scatter.add.f32 [tilespmem:s11], [sflag:$0x9], $0x80, s13, s7, $0xb8;
	[tilespmem:$0x1DC80] =	vst v63  }
0xdf: {  	_ =	swait.ge @!p1 [sflag:s12], $0x2800  }
0xe0: {  	s18 =	rddreg [dreg:$0x8];
	[sflag:s12] =	ssyncset.done @!p1 $0x0  }
0xe1: {  	s23 =	rddreg [dreg:$0x7];
	[sflag:s12] =	ssyncadd.s32 @!p1 $0xFFFFD800;
	s16 =	sadd.s32 s5, s18  }
0xe2: {  	[tilespmem:s9], [sflag:$0x4] =	stream.linear.gather [hbm4b:s16+s4], $0x50, $0x38;
	[tilespmem:$0x1DC80] =	vst v63  }
0xe3: {  	s23 =	sadd.s32 s5, s23  }
0xe4: {  	[tilespmem:s19], [sflag:$0x4] =	stream.linear.gather [hbm4b:s23+s4], $0x50, $0x38;
	[tilespmem:$0x1DC80] =	vst v63  }
0xe5: {  	_ =	swait.ge [sflag:s20], $0x50  }
0xe6: {  	[sflag:s20] =	ssyncset.done $0x0  }
0xe7: {  	[sflag:s20] =	ssyncadd.s32 $0xFFFFFFB0  }
0xe8: {  	_ =	swait.ge [sflag:s20], $0x50  }
0xe9: {  	[sflag:s20] =	ssyncset.done $0x0  }
0xea: {  	[sflag:s20] =	ssyncadd.s32 $0xFFFFFFB0  }
0xeb: {  	[tilespmem:s30], [sflag:$0x7] =	stream.indirect.gather [hbm4b:s31+s7], $0x80, s17, s7, $0xb8;
	[tilespmem:$0x1DC80] =	vst v63  }
0xec: {  	_ =	swait.ge [sflag:s0], $0x2800  }
0xed: {  	[sflag:s0] =	ssyncset.done $0x0  }
0xee: {  	s23 =	simm.s32 $0x280;
	[sflag:s0] =	ssyncadd.s32 $0xFFFFD800  }
0xef: {  	[spmem:s3] =	stream.indirect.scatter.add.f32 [tilespmem:s28], [sflag:$0xA], $0x80, s23, s7, $0xb8;
	[tilespmem:$0x1DC80] =	vst v63  }
0xf0: {  	_ =	swait.ge [sflag:s29], $0x2800  }
0xf1: {  	s16 =	rddreg [dreg:$0x6];
	[sflag:s29] =	ssyncset.done $0x0  }
0xf2: {  	s17 =	sshrl.u32 s22, $0x3;
	[sflag:s29] =	ssyncadd.s32 $0xFFFFD800;
	s12 =	sadd.s32 s5, s16  }
0xf3: {  	[tilespmem:s4], [sflag:$0x1] =	stream.linear.gather [hbm4b:s12+s4], $0x50, $0x38;
	[tilespmem:$0x1DC80] =	vst v63  }
0xf4: {  	s18 =	sadd.s32 s26, s17  }
0xf5: {  	[tilespmem:s13], [sflag:$0x1] =	stream.linear.gather [hbm4b:s18+s4], $0x50, $0x38;
	[tilespmem:$0x1DC80] =	vst v63  }
0xf6: {  	_ =	swait.ge [sflag:s8], $0x50  }
0xf7: {  	[sflag:s8] =	ssyncset.done $0x0  }
0xf8: {  	[sflag:s8] =	ssyncadd.s32 $0xFFFFFFB0  }
0xf9: {  	_ =	swait.ge [sflag:s8], $0x50  }
0xfa: {  	[sflag:s8] =	ssyncset.done $0x0  }
0xfb: {  	s24 =	simm.s32 $0x7C00;
	[sflag:s8] =	ssyncadd.s32 $0xFFFFFFB0  }
0xfc: {  	[tilespmem:s24], [sflag:$0x8] =	stream.indirect.gather [hbm4b:s31+s7], $0x80, s9, s7, $0xb8;
	[tilespmem:$0x1DC80] =	vst v63  }
0xfd: {  	_ =	swait.ge [sflag:s2], $0x2800  }
0xfe: {  	[sflag:s2] =	ssyncset.done $0x0  }
0xff: {  	p0 =	seq.s32 s5, $0x4B0;
	[sflag:s2] =	ssyncadd.s32 $0xFFFFD800  }
0x100: {  	[spmem:s3] =	stream.indirect.scatter.add.f32 [tilespmem:s30], [sflag:$0xB], $0x80, s14, s7, $0xb8;
	[tilespmem:$0x1DC80] =	vst v63  }
0x101: {  	s22 =	simm.s32 @!p0 $0x80;
	_ =	swait.ge [sflag:s10], $0x2800  }
0x102: {  	s18 =	simm.s32 @!p0 $0x0;
	s12 =	rddreg [dreg:$0x5];
	[sflag:s10] =	ssyncset.done $0x0  }
0x103: {  	s16 =	rddreg [dreg:$0x4];
	[sflag:s10] =	ssyncadd.s32 $0xFFFFD800;
	s12 =	sadd.s32 @!p0 s5, s12  }
0x104: {  	[tilespmem:s22], [sflag:$0x2] =	stream.linear.gather @!p0 [hbm4b:s12+s18], $0x50, $0x38;
	[tilespmem:$0x1DC80] =	vst v63  }
0x105: {  	s5 =	sadd.s32 @!p0 s5, s16;
	s12 =	simm.s32 @!p0 $0x280  }
0x106: {  	[tilespmem:s12], [sflag:$0x2] =	stream.linear.gather @!p0 [hbm4b:s5+s18], $0x50, $0x38;
	[tilespmem:$0x1DC80] =	vst v63  }
0x107: {  	_ =	swait.ge [sflag:s6], $0x50  }
0x108: {  	[sflag:s6] =	ssyncset.done $0x0  }
0x109: {  	[sflag:s6] =	ssyncadd.s32 $0xFFFFFFB0  }
0x10a: {  	_ =	swait.ge [sflag:s6], $0x50  }
0x10b: {  	[sflag:s6] =	ssyncset.done $0x0  }
0x10c: {  	s25 =	simm.s32 $0x8;
	[sflag:s6] =	ssyncadd.s32 $0xFFFFFFB0  }
0x10d: {  	[tilespmem:s11], [sflag:$0x5] =	stream.indirect.gather [hbm4b:s31+s7], $0x80, s4, s7, $0xb8;
	[tilespmem:$0x1DC80] =	vst v63  }
0x10e: {  	_ =	swait.ge [sflag:s25], $0x2800  }
0x10f: {  	[sflag:s25] =	ssyncset.done $0x0  }
0x110: {  	[sflag:s25] =	ssyncadd.s32 $0xFFFFD800  }
0x111: {  	[spmem:s3] =	stream.indirect.scatter.add.f32 [tilespmem:s24], [sflag:$0xC], $0x80, s19, s7, $0xb8;
	[tilespmem:$0x1DC80] =	vst v63  }
0x112: {  	_ =	swait.ge [sflag:s21], $0x2800  }
0x113: {  	[sflag:s21] =	ssyncset.done $0x0  }
0x114: {  	s0 =	simm.s32 $0xB;
	s2 =	simm.s32 $0x200;
	[sflag:s21] =	ssyncadd.s32 $0xFFFFD800  }
0x115: {  	[spmem:s3] =	stream.indirect.scatter.add.f32 [tilespmem:s11], [sflag:$0x9], $0x80, s2, s7, $0xb8;
	[tilespmem:$0x1DC80] =	vst v63  }
0x116: {  	_ =	swait.ge [sflag:s0], $0x2800  }
0x117: {  	[sflag:s0] =	ssyncset.done $0x0  }
0x118: {  	s9 =	simm.s32 $0xC;
	[sflag:s0] =	ssyncadd.s32 $0xFFFFD800  }
0x119: {  	_ =	swait.ge [sflag:s9], $0x2800  }
0x11a: {  	[sflag:s9] =	ssyncset.done $0x0  }
0x11b: {  	[sflag:s9] =	ssyncadd.s32 $0xFFFFD800  }
0x11c: {  	_ =	swait.ge [sflag:s29], $0x2800  }
0x11d: {  	[sflag:s29] =	ssyncset.done $0x0  }
0x11e: {  	[sflag:s29] =	ssyncadd.s32 $0xFFFFD800  }
0x11f: {  	[bflag:$0x0] =	sbarrier.arrive $0xFFFF  }
0x120: {  	s17 =	sld [smem:$0x7FC]  }
0x121: {  	s18 =	rddreg [dreg:$0xe]  }
0x122: {  	s24 =	simm.s32 $0xD;
	s22 =	rddreg [dreg:$0x13]  }
0x123: {  	[hbm:s22], [sflag:s18] =	dma.local [spmem:s17], $0x2800  }
0x124: {  	_ =	swait.ge [sflag:s24], $0x2800  }
0x125: {  	[sflag:s24] =	ssyncset.done $0x0  }
0x126: {  	[sflag:s24] =	ssyncadd.s32 $0xFFFFD800  }
0x127: {  	[bflag:$0x0] =	sbarrier.arrive $0xFFFF  }
0x128: {  	s21 =	rddreg [dreg:$0xd]  }
0x129: {  	[spmem:s17], [sflag:s18] =	dma.local [hbm:s21], $0x2800  }
0x12a: {  	_ =	swait.ge [sflag:s24], $0x2800  }
0x12b: {  	[sflag:s24] =	ssyncset.done $0x0  }
0x12c: {  	s5 =	simm.s32 $0x0;
	s25 =	rddreg [dreg:$0xb];
	[sflag:s24] =	ssyncadd.s32 $0xFFFFD800  }
0x12d: {  	[tilespmem:s11], [sflag:$0xD] =	stream.linear.gather [hbm4b:s25+s5], $0x2800, $0x38;
	[tilespmem:$0x1DC80] =	vst v63  }
0x12e: {  	_ =	swait.ge [sflag:s24], $0x2800  }
0x12f: {  	[sflag:s24] =	ssyncset.done $0x0  }
0x130: {  	[sflag:s24] =	ssyncadd.s32 $0xFFFFD800  }
0x131: {  	[bflag:$0x0] =	sbarrier.arrive $0xFFFF  }
0x132: {  	s28 =	rddreg [dreg:$0xf]  }
0x133: {  	[tilespmem:s2], [sflag:$0x1] =	stream.linear.gather [hbm4b:s28+s5], $0x50, $0x38;
	[tilespmem:$0x1DC80] =	vst v63  }
0x134: {  	s30 =	rddreg [dreg:$0x12]  }
0x135: {  	[tilespmem:s23], [sflag:$0x2] =	stream.linear.gather [hbm4b:s30+s5], $0x50, $0x38;
	[tilespmem:$0x1DC80] =	vst v63  }
0x136: {  	s13 =	rddreg [dreg:$0x16]  }
0x137: {  	[tilespmem:s14], [sflag:$0x3] =	stream.linear.gather [hbm4b:s13+s5], $0x50, $0x38;
	[tilespmem:$0x1DC80] =	vst v63  }
0x138: {  	_ =	swait.ge [sflag:s6], $0x50  }
0x139: {  	[sflag:s6] =	ssyncset.done $0x0  }
0x13a: {  	[sflag:s6] =	ssyncadd.s32 $0xFFFFFFB0  }
0x13b: {  	[spmem:s3] =	stream.indirect.scatter.add.f32 [tilespmem:s11], [sflag:$0x9], $0x80, s2, s7, $0xb8;
	[tilespmem:$0x1DC80] =	vst v63  }
0x13c: {  	s16 =	rddreg [dreg:$0x17]  }
0x13d: {  	[tilespmem:s19], [sflag:$0x4] =	stream.linear.gather [hbm4b:s16+s5], $0x50, $0x38;
	[tilespmem:$0x1DC80] =	vst v63  }
0x13e: {  	_ =	swait.ge [sflag:s15], $0x50  }
0x13f: {  	[sflag:s15] =	ssyncset.done $0x0  }
0x140: {  	[sflag:s15] =	ssyncadd.s32 $0xFFFFFFB0  }
0x141: {  	[spmem:s3] =	stream.indirect.scatter.add.f32 [tilespmem:s11], [sflag:$0xA], $0x80, s23, s7, $0xb8;
	[tilespmem:$0x1DC80] =	vst v63  }
0x142: {  	_ =	swait.ge [sflag:s29], $0x2800  }
0x143: {  	[sflag:s29] =	ssyncset.done $0x0  }
0x144: {  	s22 =	rddreg [dreg:$0x18];
	[sflag:s29] =	ssyncadd.s32 $0xFFFFD800  }
0x145: {  	[tilespmem:s2], [sflag:$0x1] =	stream.linear.gather [hbm4b:s22+s5], $0x50, $0x38;
	[tilespmem:$0x1DC80] =	vst v63  }
0x146: {  	_ =	swait.ge [sflag:s20], $0x50  }
0x147: {  	[sflag:s20] =	ssyncset.done $0x0  }
0x148: {  	[sflag:s20] =	ssyncadd.s32 $0xFFFFFFB0  }
0x149: {  	[spmem:s3] =	stream.indirect.scatter.add.f32 [tilespmem:s11], [sflag:$0xB], $0x80, s14, s7, $0xb8;
	[tilespmem:$0x1DC80] =	vst v63  }
0x14a: {  	_ =	swait.ge [sflag:s10], $0x2800  }
0x14b: {  	[sflag:s10] =	ssyncset.done $0x0  }
0x14c: {  	s24 =	rddreg [dreg:$0x19];
	[sflag:s10] =	ssyncadd.s32 $0xFFFFD800  }
0x14d: {  	[tilespmem:s23], [sflag:$0x2] =	stream.linear.gather [hbm4b:s24+s5], $0x50, $0x38;
	[tilespmem:$0x1DC80] =	vst v63  }
0x14e: {  	_ =	swait.ge [sflag:s8], $0x50  }
0x14f: {  	[sflag:s8] =	ssyncset.done $0x0  }
0x150: {  	[sflag:s8] =	ssyncadd.s32 $0xFFFFFFB0  }
0x151: {  	[spmem:s3] =	stream.indirect.scatter.add.f32 [tilespmem:s11], [sflag:$0xC], $0x80, s19, s7, $0xb8;
	[tilespmem:$0x1DC80] =	vst v63  }
0x152: {  	_ =	swait.ge [sflag:s0], $0x2800  }
0x153: {  	[sflag:s0] =	ssyncset.done $0x0  }
0x154: {  	s25 =	sadd.s32 $0x0, s1;
	[sflag:s0] =	ssyncadd.s32 $0xFFFFD800  }
0x155: {  	[tilespmem:s14], [sflag:$0x3] =	stream.linear.gather [hbm4b:s25+s4], $0x50, $0x38;
	[tilespmem:$0x1DC80] =	vst v63  }
0x156: {  	_ =	swait.ge [sflag:s6], $0x50  }
0x157: {  	[sflag:s6] =	ssyncset.done $0x0  }
0x158: {  	[sflag:s6] =	ssyncadd.s32 $0xFFFFFFB0  }
0x159: {  	[spmem:s3] =	stream.indirect.scatter.add.f32 [tilespmem:s11], [sflag:$0x9], $0x80, s2, s7, $0xb8;
	[tilespmem:$0x1DC80] =	vst v63  }
0x15a: {  	_ =	swait.ge [sflag:s9], $0x2800  }
0x15b: {  	[sflag:s9] =	ssyncset.done $0x0;
	s13 =	rddreg [dreg:$0x1d]  }
0x15c: {  	[sflag:s9] =	ssyncadd.s32 $0xFFFFD800;
	s12 =	sadd.s32 $0x0, s13  }
0x15d: {  	[tilespmem:s19], [sflag:$0x4] =	stream.linear.gather [hbm4b:s12+s4], $0x50, $0x38;
	[tilespmem:$0x1DC80] =	vst v63  }
0x15e: {  	_ =	swait.ge [sflag:s15], $0x50  }
0x15f: {  	[sflag:s15] =	ssyncset.done $0x0  }
0x160: {  	[sflag:s15] =	ssyncadd.s32 $0xFFFFFFB0  }
0x161: {  	[spmem:s3] =	stream.indirect.scatter.add.f32 [tilespmem:s11], [sflag:$0xA], $0x80, s23, s7, $0xb8;
	[tilespmem:$0x1DC80] =	vst v63  }
0x162: {  	_ =	swait.ge [sflag:s29], $0x2800  }
0x163: {  	[sflag:s29] =	ssyncset.done $0x0;
	s25 =	rddreg [dreg:$0x1c]  }
0x164: {  	[sflag:s29] =	ssyncadd.s32 $0xFFFFD800;
	s16 =	sadd.s32 $0x0, s25  }
0x165: {  	[tilespmem:s2], [sflag:$0x1] =	stream.linear.gather [hbm4b:s16+s4], $0x50, $0x38;
	[tilespmem:$0x1DC80] =	vst v63  }
0x166: {  	_ =	swait.ge [sflag:s20], $0x50  }
0x167: {  	[sflag:s20] =	ssyncset.done $0x0  }
0x168: {  	[sflag:s20] =	ssyncadd.s32 $0xFFFFFFB0  }
0x169: {  	[spmem:s3] =	stream.indirect.scatter.add.f32 [tilespmem:s11], [sflag:$0xB], $0x80, s14, s7, $0xb8;
	[tilespmem:$0x1DC80] =	vst v63  }
0x16a: {  	_ =	swait.ge [sflag:s10], $0x2800  }
0x16b: {  	[sflag:s10] =	ssyncset.done $0x0;
	s24 =	rddreg [dreg:$0x1b]  }
0x16c: {  	[sflag:s10] =	ssyncadd.s32 $0xFFFFD800;
	s22 =	sadd.s32 $0x0, s24  }
0x16d: {  	[tilespmem:s23], [sflag:$0x2] =	stream.linear.gather [hbm4b:s22+s4], $0x50, $0x38;
	[tilespmem:$0x1DC80] =	vst v63  }
0x16e: {  	_ =	swait.ge [sflag:s8], $0x50  }
0x16f: {  	[sflag:s8] =	ssyncset.done $0x0  }
0x170: {  	s5 =	simm.s32 $0x28;
	[sflag:s8] =	ssyncadd.s32 $0xFFFFFFB0  }
.LBB2_4:
0x171: {  	[spmem:s3] =	stream.indirect.scatter.add.f32 [tilespmem:s11], [sflag:$0xC], $0x80, s19, s7, $0xb8;
	[tilespmem:$0x1DC80] =	vst v63  }
0x172: {  	s12 =	smov.u32 s5  }
0x173: {  	p0 =	sne.s32 s5, $0x460;
	s5 =	sadd.s32 $0x28, s5;
	_ =	swait.ge [sflag:s0], $0x2800  }
0x174: {  	[sflag:s0] =	ssyncset.done $0x0  }
0x175: {  	s16 =	sadd.s32 s12, s1;
	[sflag:s0] =	ssyncadd.s32 $0xFFFFD800  }
0x176: {  	[tilespmem:s14], [sflag:$0x3] =	stream.linear.gather [hbm4b:s16+s4], $0x50, $0x38;
	[tilespmem:$0x1DC80] =	vst v63  }
0x177: {  	_ =	swait.ge [sflag:s6], $0x50  }
0x178: {  	[sflag:s6] =	ssyncset.done $0x0  }
0x179: {  	[sflag:s6] =	ssyncadd.s32 $0xFFFFFFB0  }
0x17a: {  	[spmem:s3] =	stream.indirect.scatter.add.f32 [tilespmem:s11], [sflag:$0x9], $0x80, s2, s7, $0xb8;
	[tilespmem:$0x1DC80] =	vst v63  }
0x17b: {  	_ =	swait.ge [sflag:s9], $0x2800  }
0x17c: {  	[sflag:s9] =	ssyncset.done $0x0  }
0x17d: {  	s16 =	sadd.s32 s12, s13;
	[sflag:s9] =	ssyncadd.s32 $0xFFFFD800  }
0x17e: {  	[tilespmem:s19], [sflag:$0x4] =	stream.linear.gather [hbm4b:s16+s4], $0x50, $0x38;
	[tilespmem:$0x1DC80] =	vst v63  }
0x17f: {  	_ =	swait.ge [sflag:s15], $0x50  }
0x180: {  	[sflag:s15] =	ssyncset.done $0x0  }
0x181: {  	s22 =	simm.s32 $0x280;
	[sflag:s15] =	ssyncadd.s32 $0xFFFFFFB0  }
0x182: {  	[spmem:s3] =	stream.indirect.scatter.add.f32 [tilespmem:s11], [sflag:$0xA], $0x80, s22, s7, $0xb8;
	[tilespmem:$0x1DC80] =	vst v63  }
0x183: {  	_ =	swait.ge [sflag:s29], $0x2800  }
0x184: {  	[sflag:s29] =	ssyncset.done $0x0  }
0x185: {  	s16 =	sadd.s32 s12, s25;
	[sflag:s29] =	ssyncadd.s32 $0xFFFFD800  }
0x186: {  	[tilespmem:s2], [sflag:$0x1] =	stream.linear.gather [hbm4b:s16+s4], $0x50, $0x38;
	[tilespmem:$0x1DC80] =	vst v63  }
0x187: {  	_ =	swait.ge [sflag:s20], $0x50  }
0x188: {  	[sflag:s20] =	ssyncset.done $0x0  }
0x189: {  	[sflag:s20] =	ssyncadd.s32 $0xFFFFFFB0  }
0x18a: {  	[spmem:s3] =	stream.indirect.scatter.add.f32 [tilespmem:s11], [sflag:$0xB], $0x80, s14, s7, $0xb8;
	[tilespmem:$0x1DC80] =	vst v63  }
0x18b: {  	_ =	swait.ge [sflag:s10], $0x2800  }
0x18c: {  	s23 =	simm.s32 $0x280;
	[sflag:s10] =	ssyncset.done $0x0  }
.Ltmp1:
0x18d: {  	s12 =	sadd.s32 s12, s24;
	[sflag:s10] =	ssyncadd.s32 $0xFFFFD800;
	(pc) =	sbr.rel @p0 .LBB2_4-.Ltmp1, $4  }
0x18e: {  	[tilespmem:s22], [sflag:$0x2] =	stream.linear.gather [hbm4b:s12+s4], $0x50, $0x38;
	[tilespmem:$0x1DC80] =	vst v63  }
0x18f: {  	_ =	swait.ge [sflag:s8], $0x50  }
0x190: {  	[sflag:s8] =	ssyncset.done $0x0  }
0x191: {  	[sflag:s8] =	ssyncadd.s32 $0xFFFFFFB0  }
0x192: {  	[spmem:s3] =	stream.indirect.scatter.add.f32 [tilespmem:s11], [sflag:$0xC], $0x80, s19, s7, $0xb8;
	[tilespmem:$0x1DC80] =	vst v63  }
0x193: {  	_ =	swait.ge [sflag:s0], $0x2800  }
0x194: {  	[sflag:s0] =	ssyncset.done $0x0  }
0x195: {  	s13 =	rddreg [dreg:$0x1e];
	[sflag:s0] =	ssyncadd.s32 $0xFFFFD800  }
0x196: {  	[tilespmem:s14], [sflag:$0x3] =	stream.linear.gather [hbm4b:s13+s4], $0x50, $0x38;
	[tilespmem:$0x1DC80] =	vst v63  }
0x197: {  	_ =	swait.ge [sflag:s6], $0x50  }
0x198: {  	[sflag:s6] =	ssyncset.done $0x0  }
0x199: {  	[sflag:s6] =	ssyncadd.s32 $0xFFFFFFB0  }
0x19a: {  	[spmem:s3] =	stream.indirect.scatter.add.f32 [tilespmem:s11], [sflag:$0x9], $0x80, s2, s7, $0xb8;
	[tilespmem:$0x1DC80] =	vst v63  }
0x19b: {  	_ =	swait.ge [sflag:s9], $0x2800  }
0x19c: {  	[sflag:s9] =	ssyncset.done $0x0  }
0x19d: {  	s22 =	rddreg [dreg:$0x1f];
	[sflag:s9] =	ssyncadd.s32 $0xFFFFD800  }
0x19e: {  	[tilespmem:s19], [sflag:$0x4] =	stream.linear.gather [hbm4b:s22+s4], $0x50, $0x38;
	[tilespmem:$0x1DC80] =	vst v63  }
0x19f: {  	_ =	swait.ge [sflag:s15], $0x50  }
0x1a0: {  	[sflag:s15] =	ssyncset.done $0x0  }
0x1a1: {  	[sflag:s15] =	ssyncadd.s32 $0xFFFFFFB0  }
0x1a2: {  	[spmem:s3] =	stream.indirect.scatter.add.f32 [tilespmem:s11], [sflag:$0xA], $0x80, s23, s7, $0xb8;
	[tilespmem:$0x1DC80] =	vst v63  }
0x1a3: {  	_ =	swait.ge [sflag:s29], $0x2800  }
0x1a4: {  	s23 =	sld [smem:$0x7FD]  }
0x1a5: {  	[sflag:s29] =	ssyncset.done $0x0  }
0x1a6: {  	[sflag:s29] =	ssyncadd.s32 $0xFFFFD800  }
0x1a7: {  	[tilespmem:s2], [sflag:$0x1] =	stream.linear.gather [hbm4b:s23+s4], $0x50, $0x38;
	[tilespmem:$0x1DC80] =	vst v63  }
0x1a8: {  	_ =	swait.ge [sflag:s20], $0x50  }
0x1a9: {  	[sflag:s20] =	ssyncset.done $0x0  }
0x1aa: {  	[sflag:s20] =	ssyncadd.s32 $0xFFFFFFB0  }
0x1ab: {  	[spmem:s3] =	stream.indirect.scatter.add.f32 [tilespmem:s11], [sflag:$0xB], $0x80, s14, s7, $0xb8;
	[tilespmem:$0x1DC80] =	vst v63  }
0x1ac: {  	_ =	swait.ge [sflag:s10], $0x2800  }
0x1ad: {  	[sflag:s10] =	ssyncset.done $0x0  }
0x1ae: {  	[sflag:s10] =	ssyncadd.s32 $0xFFFFD800  }
0x1af: {  	_ =	swait.ge [sflag:s8], $0x50  }
0x1b0: {  	[sflag:s8] =	ssyncset.done $0x0  }
0x1b1: {  	[sflag:s8] =	ssyncadd.s32 $0xFFFFFFB0  }
0x1b2: {  	[spmem:s3] =	stream.indirect.scatter.add.f32 [tilespmem:s11], [sflag:$0xC], $0x80, s19, s7, $0xb8;
	[tilespmem:$0x1DC80] =	vst v63  }
0x1b3: {  	_ =	swait.ge [sflag:s6], $0x50  }
0x1b4: {  	[sflag:s6] =	ssyncset.done $0x0  }
0x1b5: {  	[sflag:s6] =	ssyncadd.s32 $0xFFFFFFB0  }
0x1b6: {  	[spmem:s3] =	stream.indirect.scatter.add.f32 [tilespmem:s11], [sflag:$0x9], $0x80, s2, s7, $0xb8;
	[tilespmem:$0x1DC80] =	vst v63  }
0x1b7: {  	_ =	swait.ge [sflag:s0], $0x2800  }
0x1b8: {  	[sflag:s0] =	ssyncset.done $0x0  }
0x1b9: {  	[sflag:s0] =	ssyncadd.s32 $0xFFFFD800  }
0x1ba: {  	_ =	swait.ge [sflag:s9], $0x2800  }
0x1bb: {  	[sflag:s9] =	ssyncset.done $0x0  }
0x1bc: {  	[sflag:s9] =	ssyncadd.s32 $0xFFFFD800  }
0x1bd: {  	_ =	swait.ge [sflag:s29], $0x2800  }
0x1be: {  	[sflag:s29] =	ssyncset.done $0x0  }
0x1bf: {  	[sflag:s29] =	ssyncadd.s32 $0xFFFFD800  }
0x1c0: {  	[bflag:$0x0] =	sbarrier.arrive $0xFFFF  }
0x1c1: {  	s12 =	simm.s32 $0xD;
	s5 =	rddreg [dreg:$0x14]  }
0x1c2: {  	[hbm:s5], [sflag:s18] =	dma.local [spmem:s17], $0x2800  }
0x1c3: {  	_ =	swait.ge [sflag:s12], $0x2800  }
0x1c4: {  	s24 =	sld [smem:$0x7FB];
	_ =	sdelay $0x2  }
0x1c5: {  	s25 =	rddreg [dreg:$0x15];
	s0 =	sadd.s32 $0x1, s24  }
0x1c6: {  	p0 =	sne.s32 s0, s25  }
.Ltmp2:
0x1c7: {  	_ = 	snop;
	(pc) =	sbr.rel @p0 .LBB2_1-.Ltmp2, $3  }
0x1c8: {  	_ =	sdelay $0x1  }
0x1c9: {  	[sflag:s12] =	ssyncset.done $0x0  }
0x1ca: {  	s16 =	smov.u32 s1;
	s13 =	simm.s32 $0x80;
	[sflag:s12] =	ssyncadd.s32 $0xFFFFD800  }
0x1cb: {  	_ =	sfence.sel $0x180000  }
0x1cc: {  	[bflag:$0x0] =	sbarrier.arrive $0xFFFF  }
0x1cd: {  	_ =	strace $0x90000047  }
0x1ce: {  	s0 =	stileid.u32;
	[bflag:$0x2] =	sbarrier.arrive $0xFFFF  }
0x1cf: {  	p0 =	sne.s32 s0, $0x0;
	s0 =	rddreg [dreg:$0x3]  }
0x1d0: {  	s0 =	sadd.s32 @!p0 $0x100000, s0  }
0x1d1: {  	[sflag:s0] =	ssyncadd.tile.s32 @!p0 $0x1;
	_ =	shalt  }
.Lfunc_end2:
_tile_overlayer_lowered:
.L_overlay_start_2:
0x1d2: {  	(tag) =	ssettag $0x2  }
0x1d3: {  	s0 =	rddreg [dreg:$0x0];
	s2 =	stileid.u32  }
0x1d4: {  	s1 =	rddreg [dreg:$0x1];
	p0 =	sne.s32 s2, $0x0  }
0x1d5: {  	s3 =	rddreg [dreg:$0x2];
	[bflag:$0x3] =	sbarrier.arrive $0xFFFF;
	s2 =	simm.s32 @!p0 $0x1C0D  }
0x1d6: {  	[timem:s3], [sflag:s2] =	dma.local @!p0 [hbm:s0], s1  }
0x1d7: {  	s0 =	simm.s32 @!p0 $0xD  }
0x1d8: {  	_ =	swait.ge @!p0 [sflag:s0], s1  }
0x1d9: {  	s1 =	ssub.s32 @!p0 $0x0, s1;
	[sflag:s0] =	ssyncset.done @!p0 $0x0  }
0x1da: {  	[sflag:s0] =	ssyncadd.s32 @!p0 s1  }
0x1db: {  	[bflag:$0x3] =	sbarrier.arrive $0xFFFF  }
0x1dc: {  	_ =	shalt  }

</sc_bundles>
